<compile_context>
chip_gen: v7x
topology: tpu7x:2x2x1
jax: 0.10.2.dev20260603
libtpu: 0.0.44.dev20260713+nightly
codegen_flags: <defaults>
</compile_context>

<pallas_src>
import dataclasses
import functools

import jax
import jax.numpy as jnp
from jax import lax
from jax.experimental import pallas as pl
from jax.experimental.pallas import tpu as pltpu
from jax.experimental.pallas import tpu_sc as plsc

N = 10000
E = 320000
D = 128
H = 128
W = 128
NSC = 2
NSUB = 16
C = 2528
E_PAD = C * W
J = C // NSUB
JF = J + 16
NH = N // NSC
ACC = 5120
TR0 = 5008
NTR = 96
ZCH = ACC // NSUB
OCH = 312
OTAIL = NH - NSUB * OCH
CROWS = ACC // W


def _sc_segsum_body(y_hbm, src_hbm, dst_hbm, z128_hbm, iota_hbm,
                    s_out, cnt_out, srcv, dstv, rows0, rows1, cntv, iotav,
                    gsem0, gsem1, acc, cnta):
    c = lax.axis_index("c")
    t = lax.axis_index("s")
    rows = (rows0, rows1)
    gsem = (gsem0, gsem1)

    pltpu.sync_copy(z128_hbm.at[pl.ds(t * ZCH, ZCH)], acc.at[pl.ds(t * ZCH, ZCH)])
    pltpu.sync_copy(z128_hbm.at[pl.ds(0, CROWS)], cntv)
    pltpu.sync_copy(iota_hbm, iotav)

    @pl.when(t == 0)
    def _():
        pltpu.sync_copy(z128_hbm.at[pl.ds(0, CROWS)], cnta)

    pltpu.sync_copy(src_hbm.at[t], srcv)
    pltpu.sync_copy(dst_hbm.at[c, t], dstv)
    plsc.subcore_barrier()

    ones16 = jnp.ones((16,), jnp.float32)

    pltpu.async_copy(y_hbm.at[srcv.at[0]], rows0, gsem0)

    @pl.loop(0, J, step=2)
    def _(j0):
        for b in range(2):
            j = j0 + b
            buf = rows[b]
            pltpu.make_async_copy(y_hbm.at[srcv.at[j]], buf, gsem[b]).wait()

            @pl.when(j + 1 < J)
            def _():
                pltpu.async_copy(y_hbm.at[srcv.at[j + 1]], rows[1 - b],
                                 gsem[1 - b])

            for k in range(W // 16):
                idx = dstv[j, pl.ds(k * 16, 16)]
                plsc.addupdate_scatter(
                    cntv, [jnp.right_shift(idx, 7), jnp.bitwise_and(idx, 127)],
                    ones16)

            pltpu.sync_copy(buf, acc.at[dstv.at[j]], add=True)

    plsc.subcore_barrier()
    pltpu.sync_copy(cntv, cnta.at[iotav], add=True)
    plsc.subcore_barrier()

    pltpu.sync_copy(acc.at[pl.ds(t * OCH, OCH)], s_out.at[c, pl.ds(t * OCH, OCH)])

    @pl.when(t == 0)
    def _():
        base = NSUB * OCH
        pltpu.sync_copy(acc.at[pl.ds(base, OTAIL)], s_out.at[c, pl.ds(base, OTAIL)])
        pltpu.sync_copy(cnta, cnt_out.at[c])


@functools.cache
def _sc_segsum():
    mesh = plsc.VectorSubcoreMesh(core_axis_name="c", subcore_axis_name="s",
                                  num_cores=NSC, num_subcores=NSUB)
    cp = pltpu.CompilerParams()
    if "needs_layout_passes" in pltpu.CompilerParams.__dataclass_fields__:
        cp = dataclasses.replace(cp, needs_layout_passes=False)
    return pl.kernel(
        _sc_segsum_body,
        compiler_params=cp,
        out_type=[
            jax.ShapeDtypeStruct((NSC, NH, H), jnp.float32),
            jax.ShapeDtypeStruct((NSC, CROWS, W), jnp.float32),
        ],
        mesh=mesh,
        scratch_types=[
            pltpu.VMEM((J, W), jnp.int32),
            pltpu.VMEM((J, W), jnp.int32),
            pltpu.VMEM((W, H), jnp.float32),
            pltpu.VMEM((W, H), jnp.float32),
            pltpu.VMEM((CROWS, W), jnp.float32),
            pltpu.VMEM((CROWS,), jnp.int32),
            pltpu.SemaphoreType.DMA,
            pltpu.SemaphoreType.DMA,
            pltpu.VMEM_SHARED((ACC, H), jnp.float32),
            pltpu.VMEM_SHARED((CROWS, W), jnp.float32),
        ],
    )



_BR = 400
_GRID = N // _BR


def _dot_t(a, b):
    return lax.dot_general(a, b, (((1,), (1,)), ((), ())),
                           preferred_element_type=jnp.float32)


def _prep_body(x_ref, wl_ref, wr_ref, b_ref, y_ref, z_ref):
    xb = x_ref[...]
    y_ref[...] = _dot_t(xb, wl_ref[...])
    z_ref[...] = _dot_t(xb, wr_ref[...]) + b_ref[...]


def _mean_relu(s_ref, cnt_ref, z_ref):
    denom = jnp.maximum(cnt_ref[...], 1.0)
    return jnp.maximum(s_ref[...] / denom + z_ref[...], 0.0)


def _mid_body(s_ref, cnt_ref, z_ref, wl_ref, wr_ref, b_ref,
              y_ref, z2_ref, x1_ref):
    x1 = _mean_relu(s_ref, cnt_ref, z_ref)
    x1_ref[...] = x1
    y_ref[...] = _dot_t(x1, wl_ref[...])
    z2_ref[...] = _dot_t(x1, wr_ref[...]) + b_ref[...]


def _final_body(s_ref, cnt_ref, z_ref, x1_ref, wlin_ref, blin_ref, out_ref):
    x2 = _mean_relu(s_ref, cnt_ref, z_ref)
    a = _dot_t(x1_ref[...], wlin_ref[:, :H])
    b = _dot_t(x2, wlin_ref[:, H:])
    out_ref[...] = jax.nn.sigmoid(a + b + blin_ref[...])


def _row_spec(shape_tail):
    return pl.BlockSpec((_BR,) + shape_tail, lambda i: (i,) + (0,) * len(shape_tail))


def _full_spec(shape):
    return pl.BlockSpec(shape, lambda i: (0,) * len(shape))


_tc_prep = pl.pallas_call(
    _prep_body,
    grid=(_GRID,),
    in_specs=[
        _row_spec((D,)),
        _full_spec((H, D)),
        _full_spec((H, D)),
        _full_spec((1, H)),
    ],
    out_specs=[_row_spec((H,)), _row_spec((H,))],
    out_shape=[
        jax.ShapeDtypeStruct((N, H), jnp.float32),
        jax.ShapeDtypeStruct((N, H), jnp.float32),
    ],
)

_tc_mid = pl.pallas_call(
    _mid_body,
    grid=(_GRID,),
    in_specs=[
        _row_spec((H,)),
        _row_spec((1,)),
        _row_spec((H,)),
        _full_spec((H, H)),
        _full_spec((H, H)),
        _full_spec((1, H)),
    ],
    out_specs=[_row_spec((H,)), _row_spec((H,)), _row_spec((H,))],
    out_shape=[
        jax.ShapeDtypeStruct((N, H), jnp.float32),
        jax.ShapeDtypeStruct((N, H), jnp.float32),
        jax.ShapeDtypeStruct((N, H), jnp.float32),
    ],
)

_tc_final = pl.pallas_call(
    _final_body,
    grid=(_GRID,),
    in_specs=[
        _row_spec((H,)),
        _row_spec((1,)),
        _row_spec((H,)),
        _row_spec((H,)),
        _full_spec((1, 2 * H)),
        _full_spec((1, 1)),
    ],
    out_specs=[_row_spec((1,))],
    out_shape=[jax.ShapeDtypeStruct((N, 1), jnp.float32)],
)


def kernel(x, edge_index, W1l, b1l, W1r, W2l, b2l, W2r, Wlin, blin):
    src = edge_index[0]
    dst = edge_index[1]
    pad = E_PAD - E
    src_pad = jnp.concatenate([src, jnp.zeros((pad,), jnp.int32)])
    dst_pad = jnp.concatenate([dst, jnp.full((pad,), -1, jnp.int32)])
    srcg = src_pad.reshape(NSUB, J, W)
    dstg = dst_pad.reshape(NSUB, J, W)
    trash = (TR0 + (jnp.arange(E_PAD, dtype=jnp.int32) % NTR)).reshape(NSUB, J, W)
    dsts = []
    for c_ix in range(NSC):
        local = dstg - c_ix * NH
        ok = (local >= 0) & (local < NH)
        dsts.append(jnp.where(ok, local, trash))
    dstc = jnp.stack(dsts)
    z128 = jnp.zeros((ACC, H), jnp.float32)
    iota = jnp.arange(CROWS, dtype=jnp.int32)

    b1 = b1l.reshape(1, H)
    b2 = b2l.reshape(1, H)
    bl = blin.reshape(1, 1)

    sc_segsum = _sc_segsum()
    y1, z1 = _tc_prep(x, W1l, W1r, b1)
    s1, cnt_grid = sc_segsum(y1, srcg, dstc, z128, iota)
    s1 = s1.reshape(N, H)
    cnt = cnt_grid.reshape(NSC, ACC)[:, :NH].reshape(N, 1)
    y2, z2, x1 = _tc_mid(s1, cnt, z1, W2l, W2r, b2)
    s2, _ = sc_segsum(y2, srcg, dstc, z128, iota)
    s2 = s2.reshape(N, H)
    (out,) = _tc_final(s2, cnt, z2, x1, Wlin, bl)
    return out

# --- scband reference (transcript-rebuilt; emitter-appended) ---
"""Pipeline reference for scband-filter-52931176956186 (READ-ONLY COPY).

The authoritative reference and input builder live on the scoring server;
editing this copy changes nothing except your own understanding.
"""

import jax, jax.numpy as jnp
import numpy as np

N = 10000
E = 320000
D = 128
H = 128
OUT = 1

def setup_inputs(seed: int = 0) -> dict:
    key = jax.random.key(seed)
    ks = jax.random.split(key, 12)
    x = jax.random.normal(ks[0], (N, D), dtype=jnp.float32)
    edge_index = jax.random.randint(ks[1], (2, E), 0, N, dtype=jnp.int32)
    s_d = 1.0 / np.sqrt(D)
    s_h = 1.0 / np.sqrt(H)
    s_2h = 1.0 / np.sqrt(2 * H)
    W1l = jax.random.uniform(ks[2], (H, D), minval=-s_d, maxval=s_d, dtype=jnp.float32)
    b1l = jax.random.uniform(ks[3], (H,), minval=-s_d, maxval=s_d, dtype=jnp.float32)
    W1r = jax.random.uniform(ks[4], (H, D), minval=-s_d, maxval=s_d, dtype=jnp.float32)
    W2l = jax.random.uniform(ks[5], (H, H), minval=-s_h, maxval=s_h, dtype=jnp.float32)
    b2l = jax.random.uniform(ks[6], (H,), minval=-s_h, maxval=s_h, dtype=jnp.float32)
    W2r = jax.random.uniform(ks[7], (H, H), minval=-s_h, maxval=s_h, dtype=jnp.float32)
    Wlin = jax.random.uniform(ks[8], (OUT, 2 * H), minval=-s_2h, maxval=s_2h, dtype=jnp.float32)
    blin = jax.random.uniform(ks[9], (OUT,), minval=-s_2h, maxval=s_2h, dtype=jnp.float32)
    return {"x": x, "edge_index": edge_index, "W1l": W1l, "b1l": b1l, "W1r": W1r,
            "W2l": W2l, "b2l": b2l, "W2r": W2r, "Wlin": Wlin, "blin": blin}

def _sage_conv(x, edge_index, Wl, bl, Wr):
    # PyG SAGEConv with mean aggregation:
    # out = lin_l(mean_{j in N(i)} x_j) + lin_r(x_i)
    src = edge_index[0]
    dst = edge_index[1]
    msgs = jnp.take(x, src, axis=0)
    summed = jax.ops.segment_sum(msgs, dst, num_segments=N)
    cnt = jax.ops.segment_sum(jnp.ones((msgs.shape[0],), dtype=x.dtype), dst, num_segments=N)
    mean = summed / jnp.maximum(cnt, 1.0)[:, None]
    return mean @ Wl.T + bl + x @ Wr.T

def reference(x, edge_index, W1l, b1l, W1r, W2l, b2l, W2r, Wlin, blin):
    # eval mode: dropout is identity
    x1 = jax.nn.relu(_sage_conv(x, edge_index, W1l, b1l, W1r))
    x2 = jax.nn.relu(_sage_conv(x1, edge_index, W2l, b2l, W2r))
    h = jnp.concatenate([x1, x2], axis=-1)
    out = h @ Wlin.T + blin
    return jax.nn.sigmoid(out)

if __name__ == "__main__":
    import jax
    _d = setup_inputs()
    print(jax.jit(kernel)(*tuple(_d.values())))

</pallas_src>

<mosaic_0001>
#map = affine_map<(d0, d1) -> (0, 0)>
#map1 = affine_map<(d0, d1) -> (0, 0, 0)>
#map2 = affine_map<(d0, d1) -> (0, 0, 0, 0)>
#map3 = affine_map<(d0, d1) -> (0)>
module attributes {stable_mosaic.version = 14 : i64} {
  func.func @_sc_segsum_body(%arg0: i32, %arg1: i32, %arg2: memref<10000x128xf32, #tpu.memory_space<hbm>>, %arg3: memref<16x158x128xi32, #tpu.memory_space<hbm>>, %arg4: memref<2x16x158x128xi32, #tpu.memory_space<hbm>>, %arg5: memref<5120x128xf32, #tpu.memory_space<hbm>>, %arg6: memref<40xi32, #tpu.memory_space<hbm>>, %arg7: memref<2x5000x128xf32, #tpu.memory_space<hbm>>, %arg8: memref<2x40x128xf32, #tpu.memory_space<hbm>>, %arg9: memref<158x128xi32, #tpu.memory_space<vmem>>, %arg10: memref<158x128xi32, #tpu.memory_space<vmem>>, %arg11: memref<128x128xf32, #tpu.memory_space<vmem>>, %arg12: memref<128x128xf32, #tpu.memory_space<vmem>>, %arg13: memref<40x128xf32, #tpu.memory_space<vmem>>, %arg14: memref<40xi32, #tpu.memory_space<vmem>>, %arg15: memref<!tpu.dma_semaphore, #tpu.memory_space<semaphore_mem>>, %arg16: memref<!tpu.dma_semaphore, #tpu.memory_space<semaphore_mem>>, %arg17: memref<5120x128xf32, #tpu.memory_space<vmem_shared>>, %arg18: memref<40x128xf32, #tpu.memory_space<vmem_shared>>) attributes {dimension_semantics = [#tpu.dimension_semantics<core_parallel>, #tpu.dimension_semantics<subcore_parallel>], iteration_bounds = array<i64: 2, 16>, scalar_prefetch = 0 : i64, scratch_operands = 10 : i64, tpu.core_type = #tpu.core_type<sc_vector_subcore>, window_params = [{transform_indices = #map}, {transform_indices = #map1}, {transform_indices = #map2}, {transform_indices = #map}, {transform_indices = #map3}, {transform_indices = #map1}, {transform_indices = #map1}]} {
    %mul3A = arith.constant 320 : i32
    %mul3A_0 = arith.muli %arg1, %mul3A : i32
    %mul3A_1 = arith.constant 320 : i32
    %mul3A_2 = arith.muli %arg1, %mul3A_1 : i32
    "tpu.region"() ({
      %run_scoped3A = tpu.sem_alloc : memref<!tpu.dma_semaphore, #tpu.memory_space<semaphore_mem>>
      %dma_start3A_27 = arith.constant 0 : i32
      %dma_start3A_28 = tpu.memref_slice %arg17[%mul3A_2, %dma_start3A_27] : memref<5120x128xf32, #tpu.memory_space<vmem_shared>> -> memref<320x128xf32, #tpu.memory_space<vmem_shared>>
      %dma_start3A_29 = arith.constant 0 : i32
      %dma_start3A_30 = tpu.memref_slice %arg5[%mul3A_0, %dma_start3A_29] : memref<5120x128xf32, #tpu.memory_space<hbm>> -> memref<320x128xf32, #tpu.memory_space<hbm>>
      tpu.enqueue_dma source(%dma_start3A_30 : memref<320x128xf32, #tpu.memory_space<hbm>>) target(%dma_start3A_28 : memref<320x128xf32, #tpu.memory_space<vmem_shared>>) target_semaphore(%run_scoped3A : memref<!tpu.dma_semaphore, #tpu.memory_space<semaphore_mem>>)
      %dma_wait3A = arith.constant 0 : i32
      %dma_wait3A_31 = tpu.memref_slice %arg17[%mul3A_2, %dma_wait3A] : memref<5120x128xf32, #tpu.memory_space<vmem_shared>> -> memref<320x128xf32, #tpu.memory_space<vmem_shared>>
      %dma_wait3A_32 = arith.constant 0 : i32
      %dma_wait3A_33 = tpu.memref_slice %arg5[%mul3A_0, %dma_wait3A_32] : memref<5120x128xf32, #tpu.memory_space<hbm>> -> memref<320x128xf32, #tpu.memory_space<hbm>>
      tpu.wait_dma2 semaphore(%run_scoped3A : memref<!tpu.dma_semaphore, #tpu.memory_space<semaphore_mem>>) src(%dma_wait3A_33 : memref<320x128xf32, #tpu.memory_space<hbm>>) dst(%dma_wait3A_31 : memref<320x128xf32, #tpu.memory_space<vmem_shared>>)
      tpu.yield
    }) : () -> ()
    "tpu.region"() ({
      %run_scoped3A = tpu.sem_alloc : memref<!tpu.dma_semaphore, #tpu.memory_space<semaphore_mem>>
      %dma_start3A_27 = arith.constant 0 : i32
      %dma_start3A_28 = arith.constant 0 : i32
      %dma_start3A_29 = tpu.memref_slice %arg5[%dma_start3A_27, %dma_start3A_28] : memref<5120x128xf32, #tpu.memory_space<hbm>> -> memref<40x128xf32, #tpu.memory_space<hbm>>
      %dma_start3A_30 = arith.constant 0 : i32
      %dma_start3A_31 = arith.constant 0 : i32
      %dma_start3A_32 = tpu.memref_slice %arg5[%dma_start3A_30, %dma_start3A_31] : memref<5120x128xf32, #tpu.memory_space<hbm>> -> memref<40x128xf32, #tpu.memory_space<hbm>>
      tpu.enqueue_dma source(%dma_start3A_32 : memref<40x128xf32, #tpu.memory_space<hbm>>) target(%arg13 : memref<40x128xf32, #tpu.memory_space<vmem>>) target_semaphore(%run_scoped3A : memref<!tpu.dma_semaphore, #tpu.memory_space<semaphore_mem>>)
      %dma_wait3A = arith.constant 0 : i32
      %dma_wait3A_33 = arith.constant 0 : i32
      %dma_wait3A_34 = tpu.memref_slice %arg5[%dma_wait3A, %dma_wait3A_33] : memref<5120x128xf32, #tpu.memory_space<hbm>> -> memref<40x128xf32, #tpu.memory_space<hbm>>
      %dma_wait3A_35 = arith.constant 0 : i32
      %dma_wait3A_36 = arith.constant 0 : i32
      %dma_wait3A_37 = tpu.memref_slice %arg5[%dma_wait3A_35, %dma_wait3A_36] : memref<5120x128xf32, #tpu.memory_space<hbm>> -> memref<40x128xf32, #tpu.memory_space<hbm>>
      tpu.wait_dma2 semaphore(%run_scoped3A : memref<!tpu.dma_semaphore, #tpu.memory_space<semaphore_mem>>) src(%dma_wait3A_37 : memref<40x128xf32, #tpu.memory_space<hbm>>) dst(%arg13 : memref<40x128xf32, #tpu.memory_space<vmem>>)
      tpu.yield
    }) : () -> ()
    "tpu.region"() ({
      %run_scoped3A = tpu.sem_alloc : memref<!tpu.dma_semaphore, #tpu.memory_space<semaphore_mem>>
      tpu.enqueue_dma source(%arg6 : memref<40xi32, #tpu.memory_space<hbm>>) target(%arg14 : memref<40xi32, #tpu.memory_space<vmem>>) target_semaphore(%run_scoped3A : memref<!tpu.dma_semaphore, #tpu.memory_space<semaphore_mem>>)
      tpu.wait_dma2 semaphore(%run_scoped3A : memref<!tpu.dma_semaphore, #tpu.memory_space<semaphore_mem>>) src(%arg6 : memref<40xi32, #tpu.memory_space<hbm>>) dst(%arg14 : memref<40xi32, #tpu.memory_space<vmem>>)
      tpu.yield
    }) : () -> ()
    %eq3A = arith.constant 0 : i32
    %eq3A_3 = arith.cmpi eq, %arg1, %eq3A : i32
    %convert_element_type3A = arith.extui %eq3A_3 : i1 to i32
    %cond3A = arith.constant 0 : i32
    %cond3A_4 = arith.cmpi ne, %convert_element_type3A, %cond3A : i32
    scf.if %cond3A_4 {
      "tpu.region"() ({
        %run_scoped3A = tpu.sem_alloc : memref<!tpu.dma_semaphore, #tpu.memory_space<semaphore_mem>>
        %dma_start3A_27 = arith.constant 0 : i32
        %dma_start3A_28 = arith.constant 0 : i32
        %dma_start3A_29 = tpu.memref_slice %arg5[%dma_start3A_27, %dma_start3A_28] : memref<5120x128xf32, #tpu.memory_space<hbm>> -> memref<40x128xf32, #tpu.memory_space<hbm>>
        tpu.enqueue_dma source(%dma_start3A_29 : memref<40x128xf32, #tpu.memory_space<hbm>>) target(%arg18 : memref<40x128xf32, #tpu.memory_space<vmem_shared>>) target_semaphore(%run_scoped3A : memref<!tpu.dma_semaphore, #tpu.memory_space<semaphore_mem>>)
        %dma_wait3A = arith.constant 0 : i32
        %dma_wait3A_30 = arith.constant 0 : i32
        %dma_wait3A_31 = tpu.memref_slice %arg5[%dma_wait3A, %dma_wait3A_30] : memref<5120x128xf32, #tpu.memory_space<hbm>> -> memref<40x128xf32, #tpu.memory_space<hbm>>
        tpu.wait_dma2 semaphore(%run_scoped3A : memref<!tpu.dma_semaphore, #tpu.memory_space<semaphore_mem>>) src(%dma_wait3A_31 : memref<40x128xf32, #tpu.memory_space<hbm>>) dst(%arg18 : memref<40x128xf32, #tpu.memory_space<vmem_shared>>)
        tpu.yield
      }) : () -> ()
    } else {
    }
    "tpu.region"() ({
      %run_scoped3A = tpu.sem_alloc : memref<!tpu.dma_semaphore, #tpu.memory_space<semaphore_mem>>
      %dma_start3A_27 = arith.constant 0 : i32
      %dma_start3A_28 = arith.constant 0 : i32
      %dma_start3A_29 = tpu.memref_slice %arg3[%arg1, %dma_start3A_27, %dma_start3A_28] : memref<16x158x128xi32, #tpu.memory_space<hbm>> -> memref<1x158x128xi32, #tpu.memory_space<hbm>>
      %dma_start3A_30 = tpu.memref_squeeze %dma_start3A_29 : memref<1x158x128xi32, #tpu.memory_space<hbm>> -> memref<158x128xi32, #tpu.memory_space<hbm>>
      %dma_start3A_31 = arith.constant 0 : i32
      %dma_start3A_32 = arith.constant 0 : i32
      %dma_start3A_33 = tpu.memref_slice %arg3[%arg1, %dma_start3A_31, %dma_start3A_32] : memref<16x158x128xi32, #tpu.memory_space<hbm>> -> memref<1x158x128xi32, #tpu.memory_space<hbm>>
      %dma_start3A_34 = tpu.memref_squeeze %dma_start3A_33 : memref<1x158x128xi32, #tpu.memory_space<hbm>> -> memref<158x128xi32, #tpu.memory_space<hbm>>
      tpu.enqueue_dma source(%dma_start3A_34 : memref<158x128xi32, #tpu.memory_space<hbm>>) target(%arg9 : memref<158x128xi32, #tpu.memory_space<vmem>>) target_semaphore(%run_scoped3A : memref<!tpu.dma_semaphore, #tpu.memory_space<semaphore_mem>>)
      %dma_wait3A = arith.constant 0 : i32
      %dma_wait3A_35 = arith.constant 0 : i32
      %dma_wait3A_36 = tpu.memref_slice %arg3[%arg1, %dma_wait3A, %dma_wait3A_35] : memref<16x158x128xi32, #tpu.memory_space<hbm>> -> memref<1x158x128xi32, #tpu.memory_space<hbm>>
      %dma_wait3A_37 = tpu.memref_squeeze %dma_wait3A_36 : memref<1x158x128xi32, #tpu.memory_space<hbm>> -> memref<158x128xi32, #tpu.memory_space<hbm>>
      %dma_wait3A_38 = arith.constant 0 : i32
      %dma_wait3A_39 = arith.constant 0 : i32
      %dma_wait3A_40 = tpu.memref_slice %arg3[%arg1, %dma_wait3A_38, %dma_wait3A_39] : memref<16x158x128xi32, #tpu.memory_space<hbm>> -> memref<1x158x128xi32, #tpu.memory_space<hbm>>
      %dma_wait3A_41 = tpu.memref_squeeze %dma_wait3A_40 : memref<1x158x128xi32, #tpu.memory_space<hbm>> -> memref<158x128xi32, #tpu.memory_space<hbm>>
      tpu.wait_dma2 semaphore(%run_scoped3A : memref<!tpu.dma_semaphore, #tpu.memory_space<semaphore_mem>>) src(%dma_wait3A_41 : memref<158x128xi32, #tpu.memory_space<hbm>>) dst(%arg9 : memref<158x128xi32, #tpu.memory_space<vmem>>)
      tpu.yield
    }) : () -> ()
    "tpu.region"() ({
      %run_scoped3A = tpu.sem_alloc : memref<!tpu.dma_semaphore, #tpu.memory_space<semaphore_mem>>
      %dma_start3A_27 = arith.constant 0 : i32
      %dma_start3A_28 = arith.constant 0 : i32
      %dma_start3A_29 = tpu.memref_slice %arg4[%arg0, %arg1, %dma_start3A_27, %dma_start3A_28] : memref<2x16x158x128xi32, #tpu.memory_space<hbm>> -> memref<1x1x158x128xi32, #tpu.memory_space<hbm>>
      %dma_start3A_30 = tpu.memref_squeeze %dma_start3A_29 : memref<1x1x158x128xi32, #tpu.memory_space<hbm>> -> memref<158x128xi32, #tpu.memory_space<hbm>>
      %dma_start3A_31 = arith.constant 0 : i32
      %dma_start3A_32 = arith.constant 0 : i32
      %dma_start3A_33 = tpu.memref_slice %arg4[%arg0, %arg1, %dma_start3A_31, %dma_start3A_32] : memref<2x16x158x128xi32, #tpu.memory_space<hbm>> -> memref<1x1x158x128xi32, #tpu.memory_space<hbm>>
      %dma_start3A_34 = tpu.memref_squeeze %dma_start3A_33 : memref<1x1x158x128xi32, #tpu.memory_space<hbm>> -> memref<158x128xi32, #tpu.memory_space<hbm>>
      tpu.enqueue_dma source(%dma_start3A_34 : memref<158x128xi32, #tpu.memory_space<hbm>>) target(%arg10 : memref<158x128xi32, #tpu.memory_space<vmem>>) target_semaphore(%run_scoped3A : memref<!tpu.dma_semaphore, #tpu.memory_space<semaphore_mem>>)
      %dma_wait3A = arith.constant 0 : i32
      %dma_wait3A_35 = arith.constant 0 : i32
      %dma_wait3A_36 = tpu.memref_slice %arg4[%arg0, %arg1, %dma_wait3A, %dma_wait3A_35] : memref<2x16x158x128xi32, #tpu.memory_space<hbm>> -> memref<1x1x158x128xi32, #tpu.memory_space<hbm>>
      %dma_wait3A_37 = tpu.memref_squeeze %dma_wait3A_36 : memref<1x1x158x128xi32, #tpu.memory_space<hbm>> -> memref<158x128xi32, #tpu.memory_space<hbm>>
      %dma_wait3A_38 = arith.constant 0 : i32
      %dma_wait3A_39 = arith.constant 0 : i32
      %dma_wait3A_40 = tpu.memref_slice %arg4[%arg0, %arg1, %dma_wait3A_38, %dma_wait3A_39] : memref<2x16x158x128xi32, #tpu.memory_space<hbm>> -> memref<1x1x158x128xi32, #tpu.memory_space<hbm>>
      %dma_wait3A_41 = tpu.memref_squeeze %dma_wait3A_40 : memref<1x1x158x128xi32, #tpu.memory_space<hbm>> -> memref<158x128xi32, #tpu.memory_space<hbm>>
      tpu.wait_dma2 semaphore(%run_scoped3A : memref<!tpu.dma_semaphore, #tpu.memory_space<semaphore_mem>>) src(%dma_wait3A_41 : memref<158x128xi32, #tpu.memory_space<hbm>>) dst(%arg10 : memref<158x128xi32, #tpu.memory_space<vmem>>)
      tpu.yield
    }) : () -> ()
    %barrier3A = arith.constant 0 : index
    tpu.barrier barrier_id(%barrier3A)
    %broadcast_in_dim3A = arith.constant 1.000000e+00 : f32
    %broadcast_in_dim3A_5 = vector.broadcast %broadcast_in_dim3A : f32 to vector<16xf32>
    %dma_start3A = arith.constant 0 : i32
    %dma_start3A_6 = arith.constant 0 : i32
    %dma_start3A_7 = tpu.memref_slice %arg9[%dma_start3A, %dma_start3A_6] : memref<158x128xi32, #tpu.memory_space<vmem>> -> memref<1x128xi32, #tpu.memory_space<vmem>>
    %dma_start3A_8 = tpu.memref_squeeze %dma_start3A_7 : memref<1x128xi32, #tpu.memory_space<vmem>> -> memref<128xi32, #tpu.memory_space<vmem>>
    %dma_start3A_9 = arith.constant 0 : i32
    %dma_start3A_10 = arith.constant 0 : i32
    %dma_start3A_11 = tpu.memref_slice %arg2[%dma_start3A_9, %dma_start3A_10] : memref<10000x128xf32, #tpu.memory_space<hbm>> -> memref<10000x128xf32, #tpu.memory_space<hbm>>
    tpu.enqueue_indirect_dma source(%dma_start3A_11 : memref<10000x128xf32, #tpu.memory_space<hbm>>) target(%arg11 : memref<128x128xf32, #tpu.memory_space<vmem>>) offsets(%dma_start3A_8 : memref<128xi32, #tpu.memory_space<vmem>>) semaphore(%arg15 : memref<!tpu.dma_semaphore, #tpu.memory_space<semaphore_mem>>)
    %scan3A = arith.constant 0 : i32
    %scan3A_12 = arith.constant 79 : i32
    %scan3A_13 = arith.addi %scan3A, %scan3A_12 : i32
    %scan3A_14 = arith.constant 1 : i32
    scf.for %scan3A_27 = %scan3A to %scan3A_13 step %scan3A_14  : i32 {
      %mul3A_28 = arith.constant 2 : i32
      %mul3A_29 = arith.muli %scan3A_27, %mul3A_28 : i32
      %add3A = arith.constant 0 : i32
      %add3A_30 = arith.addi %add3A, %mul3A_29 : i32
      %add3A_31 = arith.constant 0 : i32
      %add3A_32 = arith.addi %add3A_30, %add3A_31 : i32
      %dma_wait3A = arith.constant 0 : i32
      %dma_wait3A_33 = tpu.memref_slice %arg9[%add3A_32, %dma_wait3A] : memref<158x128xi32, #tpu.memory_space<vmem>> -> memref<1x128xi32, #tpu.memory_space<vmem>>
      %dma_wait3A_34 = tpu.memref_squeeze %dma_wait3A_33 : memref<1x128xi32, #tpu.memory_space<vmem>> -> memref<128xi32, #tpu.memory_space<vmem>>
      %dma_wait3A_35 = arith.constant 0 : i32
      %dma_wait3A_36 = arith.constant 0 : i32
      %dma_wait3A_37 = tpu.memref_slice %arg2[%dma_wait3A_35, %dma_wait3A_36] : memref<10000x128xf32, #tpu.memory_space<hbm>> -> memref<10000x128xf32, #tpu.memory_space<hbm>>
      tpu.wait_indirect_dma semaphore(%arg15 : memref<!tpu.dma_semaphore, #tpu.memory_space<semaphore_mem>>) src(%dma_wait3A_37 : memref<10000x128xf32, #tpu.memory_space<hbm>>) dst(%arg11 : memref<128x128xf32, #tpu.memory_space<vmem>>)
      %add3A_38 = arith.constant 1 : i32
      %add3A_39 = arith.addi %add3A_32, %add3A_38 : i32
      %lt3A = arith.constant 158 : i32
      %lt3A_40 = arith.cmpi slt, %add3A_39, %lt3A : i32
      %convert_element_type3A_41 = arith.extui %lt3A_40 : i1 to i32
      %cond3A_42 = arith.constant 0 : i32
      %cond3A_43 = arith.cmpi ne, %convert_element_type3A_41, %cond3A_42 : i32
      scf.if %cond3A_43 {
        %add3A_200 = arith.constant 1 : i32
        %add3A_201 = arith.addi %add3A_32, %add3A_200 : i32
        %dma_start3A_202 = arith.constant 0 : i32
        %dma_start3A_203 = tpu.memref_slice %arg9[%add3A_201, %dma_start3A_202] : memref<158x128xi32, #tpu.memory_space<vmem>> -> memref<1x128xi32, #tpu.memory_space<vmem>>
        %dma_start3A_204 = tpu.memref_squeeze %dma_start3A_203 : memref<1x128xi32, #tpu.memory_space<vmem>> -> memref<128xi32, #tpu.memory_space<vmem>>
        %dma_start3A_205 = arith.constant 0 : i32
        %dma_start3A_206 = arith.constant 0 : i32
        %dma_start3A_207 = tpu.memref_slice %arg2[%dma_start3A_205, %dma_start3A_206] : memref<10000x128xf32, #tpu.memory_space<hbm>> -> memref<10000x128xf32, #tpu.memory_space<hbm>>
        tpu.enqueue_indirect_dma source(%dma_start3A_207 : memref<10000x128xf32, #tpu.memory_space<hbm>>) target(%arg12 : memref<128x128xf32, #tpu.memory_space<vmem>>) offsets(%dma_start3A_204 : memref<128xi32, #tpu.memory_space<vmem>>) semaphore(%arg16 : memref<!tpu.dma_semaphore, #tpu.memory_space<semaphore_mem>>)
      } else {
      }
      %get3A = arith.index_cast %add3A_32 : i32 to index
      %get3A_44 = arith.constant 0 : index
      %get3A_45 = tpu.vector_load %arg10[%get3A, %get3A_44] {strides = array<i32>} : memref<158x128xi32, #tpu.memory_space<vmem>>, vector<16xi32>,
      %shift_right_arithmetic3A = arith.constant 7 : i32
      %shift_right_arithmetic3A_46 = vector.broadcast %shift_right_arithmetic3A : i32 to vector<16xi32>
      %shift_right_arithmetic3A_47 = arith.shrsi %get3A_45, %shift_right_arithmetic3A_46 : vector<16xi32>
      %and3A = arith.constant 127 : i32
      %and3A_48 = vector.broadcast %and3A : i32 to vector<16xi32>
      %and3A_49 = arith.andi %get3A_45, %and3A_48 : vector<16xi32>
      tpu.vector_store_idx %arg13[%shift_right_arithmetic3A_47, %and3A_49], %broadcast_in_dim3A_5 {add = true} : memref<40x128xf32, #tpu.memory_space<vmem>>[vector<16xi32>, vector<16xi32>], vector<16xf32>,
      %get3A_50 = arith.index_cast %add3A_32 : i32 to index
      %get3A_51 = arith.constant 16 : index
      %get3A_52 = tpu.vector_load %arg10[%get3A_50, %get3A_51] {strides = array<i32>} : memref<158x128xi32, #tpu.memory_space<vmem>>, vector<16xi32>,
      %shift_right_arithmetic3A_53 = arith.constant 7 : i32
      %shift_right_arithmetic3A_54 = vector.broadcast %shift_right_arithmetic3A_53 : i32 to vector<16xi32>
      %shift_right_arithmetic3A_55 = arith.shrsi %get3A_52, %shift_right_arithmetic3A_54 : vector<16xi32>
      %and3A_56 = arith.constant 127 : i32
      %and3A_57 = vector.broadcast %and3A_56 : i32 to vector<16xi32>
      %and3A_58 = arith.andi %get3A_52, %and3A_57 : vector<16xi32>
      tpu.vector_store_idx %arg13[%shift_right_arithmetic3A_55, %and3A_58], %broadcast_in_dim3A_5 {add = true} : memref<40x128xf32, #tpu.memory_space<vmem>>[vector<16xi32>, vector<16xi32>], vector<16xf32>,
      %get3A_59 = arith.index_cast %add3A_32 : i32 to index
      %get3A_60 = arith.constant 32 : index
      %get3A_61 = tpu.vector_load %arg10[%get3A_59, %get3A_60] {strides = array<i32>} : memref<158x128xi32, #tpu.memory_space<vmem>>, vector<16xi32>,
      %shift_right_arithmetic3A_62 = arith.constant 7 : i32
      %shift_right_arithmetic3A_63 = vector.broadcast %shift_right_arithmetic3A_62 : i32 to vector<16xi32>
      %shift_right_arithmetic3A_64 = arith.shrsi %get3A_61, %shift_right_arithmetic3A_63 : vector<16xi32>
      %and3A_65 = arith.constant 127 : i32
      %and3A_66 = vector.broadcast %and3A_65 : i32 to vector<16xi32>
      %and3A_67 = arith.andi %get3A_61, %and3A_66 : vector<16xi32>
      tpu.vector_store_idx %arg13[%shift_right_arithmetic3A_64, %and3A_67], %broadcast_in_dim3A_5 {add = true} : memref<40x128xf32, #tpu.memory_space<vmem>>[vector<16xi32>, vector<16xi32>], vector<16xf32>,
      %get3A_68 = arith.index_cast %add3A_32 : i32 to index
      %get3A_69 = arith.constant 48 : index
      %get3A_70 = tpu.vector_load %arg10[%get3A_68, %get3A_69] {strides = array<i32>} : memref<158x128xi32, #tpu.memory_space<vmem>>, vector<16xi32>,
      %shift_right_arithmetic3A_71 = arith.constant 7 : i32
      %shift_right_arithmetic3A_72 = vector.broadcast %shift_right_arithmetic3A_71 : i32 to vector<16xi32>
      %shift_right_arithmetic3A_73 = arith.shrsi %get3A_70, %shift_right_arithmetic3A_72 : vector<16xi32>
      %and3A_74 = arith.constant 127 : i32
      %and3A_75 = vector.broadcast %and3A_74 : i32 to vector<16xi32>
      %and3A_76 = arith.andi %get3A_70, %and3A_75 : vector<16xi32>
      tpu.vector_store_idx %arg13[%shift_right_arithmetic3A_73, %and3A_76], %broadcast_in_dim3A_5 {add = true} : memref<40x128xf32, #tpu.memory_space<vmem>>[vector<16xi32>, vector<16xi32>], vector<16xf32>,
      %get3A_77 = arith.index_cast %add3A_32 : i32 to index
      %get3A_78 = arith.constant 64 : index
      %get3A_79 = tpu.vector_load %arg10[%get3A_77, %get3A_78] {strides = array<i32>} : memref<158x128xi32, #tpu.memory_space<vmem>>, vector<16xi32>,
      %shift_right_arithmetic3A_80 = arith.constant 7 : i32
      %shift_right_arithmetic3A_81 = vector.broadcast %shift_right_arithmetic3A_80 : i32 to vector<16xi32>
      %shift_right_arithmetic3A_82 = arith.shrsi %get3A_79, %shift_right_arithmetic3A_81 : vector<16xi32>
      %and3A_83 = arith.constant 127 : i32
      %and3A_84 = vector.broadcast %and3A_83 : i32 to vector<16xi32>
      %and3A_85 = arith.andi %get3A_79, %and3A_84 : vector<16xi32>
      tpu.vector_store_idx %arg13[%shift_right_arithmetic3A_82, %and3A_85], %broadcast_in_dim3A_5 {add = true} : memref<40x128xf32, #tpu.memory_space<vmem>>[vector<16xi32>, vector<16xi32>], vector<16xf32>,
      %get3A_86 = arith.index_cast %add3A_32 : i32 to index
      %get3A_87 = arith.constant 80 : index
      %get3A_88 = tpu.vector_load %arg10[%get3A_86, %get3A_87] {strides = array<i32>} : memref<158x128xi32, #tpu.memory_space<vmem>>, vector<16xi32>,
      %shift_right_arithmetic3A_89 = arith.constant 7 : i32
      %shift_right_arithmetic3A_90 = vector.broadcast %shift_right_arithmetic3A_89 : i32 to vector<16xi32>
      %shift_right_arithmetic3A_91 = arith.shrsi %get3A_88, %shift_right_arithmetic3A_90 : vector<16xi32>
      %and3A_92 = arith.constant 127 : i32
      %and3A_93 = vector.broadcast %and3A_92 : i32 to vector<16xi32>
      %and3A_94 = arith.andi %get3A_88, %and3A_93 : vector<16xi32>
      tpu.vector_store_idx %arg13[%shift_right_arithmetic3A_91, %and3A_94], %broadcast_in_dim3A_5 {add = true} : memref<40x128xf32, #tpu.memory_space<vmem>>[vector<16xi32>, vector<16xi32>], vector<16xf32>,
      %get3A_95 = arith.index_cast %add3A_32 : i32 to index
      %get3A_96 = arith.constant 96 : index
      %get3A_97 = tpu.vector_load %arg10[%get3A_95, %get3A_96] {strides = array<i32>} : memref<158x128xi32, #tpu.memory_space<vmem>>, vector<16xi32>,
      %shift_right_arithmetic3A_98 = arith.constant 7 : i32
      %shift_right_arithmetic3A_99 = vector.broadcast %shift_right_arithmetic3A_98 : i32 to vector<16xi32>
      %shift_right_arithmetic3A_100 = arith.shrsi %get3A_97, %shift_right_arithmetic3A_99 : vector<16xi32>
      %and3A_101 = arith.constant 127 : i32
      %and3A_102 = vector.broadcast %and3A_101 : i32 to vector<16xi32>
      %and3A_103 = arith.andi %get3A_97, %and3A_102 : vector<16xi32>
      tpu.vector_store_idx %arg13[%shift_right_arithmetic3A_100, %and3A_103], %broadcast_in_dim3A_5 {add = true} : memref<40x128xf32, #tpu.memory_space<vmem>>[vector<16xi32>, vector<16xi32>], vector<16xf32>,
      %get3A_104 = arith.index_cast %add3A_32 : i32 to index
      %get3A_105 = arith.constant 112 : index
      %get3A_106 = tpu.vector_load %arg10[%get3A_104, %get3A_105] {strides = array<i32>} : memref<158x128xi32, #tpu.memory_space<vmem>>, vector<16xi32>,
      %shift_right_arithmetic3A_107 = arith.constant 7 : i32
      %shift_right_arithmetic3A_108 = vector.broadcast %shift_right_arithmetic3A_107 : i32 to vector<16xi32>
      %shift_right_arithmetic3A_109 = arith.shrsi %get3A_106, %shift_right_arithmetic3A_108 : vector<16xi32>
      %and3A_110 = arith.constant 127 : i32
      %and3A_111 = vector.broadcast %and3A_110 : i32 to vector<16xi32>
      %and3A_112 = arith.andi %get3A_106, %and3A_111 : vector<16xi32>
      tpu.vector_store_idx %arg13[%shift_right_arithmetic3A_109, %and3A_112], %broadcast_in_dim3A_5 {add = true} : memref<40x128xf32, #tpu.memory_space<vmem>>[vector<16xi32>, vector<16xi32>], vector<16xf32>,
      "tpu.region"() ({
        %run_scoped3A = tpu.sem_alloc : memref<!tpu.dma_semaphore, #tpu.memory_space<semaphore_mem>>
        %dma_start3A_200 = arith.constant 0 : i32
        %dma_start3A_201 = tpu.memref_slice %arg10[%add3A_32, %dma_start3A_200] : memref<158x128xi32, #tpu.memory_space<vmem>> -> memref<1x128xi32, #tpu.memory_space<vmem>>
        %dma_start3A_202 = tpu.memref_squeeze %dma_start3A_201 : memref<1x128xi32, #tpu.memory_space<vmem>> -> memref<128xi32, #tpu.memory_space<vmem>>
        %dma_start3A_203 = arith.constant 0 : i32
        %dma_start3A_204 = arith.constant 0 : i32
        %dma_start3A_205 = tpu.memref_slice %arg17[%dma_start3A_203, %dma_start3A_204] : memref<5120x128xf32, #tpu.memory_space<vmem_shared>> -> memref<5120x128xf32, #tpu.memory_space<vmem_shared>>
        tpu.enqueue_indirect_dma source(%arg11 : memref<128x128xf32, #tpu.memory_space<vmem>>) target(%dma_start3A_205 : memref<5120x128xf32, #tpu.memory_space<vmem_shared>>) offsets(%dma_start3A_202 : memref<128xi32, #tpu.memory_space<vmem>>) semaphore(%run_scoped3A : memref<!tpu.dma_semaphore, #tpu.memory_space<semaphore_mem>>) {add = true}
        %dma_wait3A_206 = arith.constant 0 : i32
        %dma_wait3A_207 = tpu.memref_slice %arg10[%add3A_32, %dma_wait3A_206] : memref<158x128xi32, #tpu.memory_space<vmem>> -> memref<1x128xi32, #tpu.memory_space<vmem>>
        %dma_wait3A_208 = tpu.memref_squeeze %dma_wait3A_207 : memref<1x128xi32, #tpu.memory_space<vmem>> -> memref<128xi32, #tpu.memory_space<vmem>>
        %dma_wait3A_209 = arith.constant 0 : i32
        %dma_wait3A_210 = arith.constant 0 : i32
        %dma_wait3A_211 = tpu.memref_slice %arg17[%dma_wait3A_209, %dma_wait3A_210] : memref<5120x128xf32, #tpu.memory_space<vmem_shared>> -> memref<5120x128xf32, #tpu.memory_space<vmem_shared>>
        tpu.wait_indirect_dma semaphore(%run_scoped3A : memref<!tpu.dma_semaphore, #tpu.memory_space<semaphore_mem>>) src(%arg11 : memref<128x128xf32, #tpu.memory_space<vmem>>) dst(%dma_wait3A_211 : memref<5120x128xf32, #tpu.memory_space<vmem_shared>>)
        tpu.yield
      }) : () -> ()
      %add3A_113 = arith.constant 1 : i32
      %add3A_114 = arith.addi %add3A_30, %add3A_113 : i32
      %dma_wait3A_115 = arith.constant 0 : i32
      %dma_wait3A_116 = tpu.memref_slice %arg9[%add3A_114, %dma_wait3A_115] : memref<158x128xi32, #tpu.memory_space<vmem>> -> memref<1x128xi32, #tpu.memory_space<vmem>>
      %dma_wait3A_117 = tpu.memref_squeeze %dma_wait3A_116 : memref<1x128xi32, #tpu.memory_space<vmem>> -> memref<128xi32, #tpu.memory_space<vmem>>
      %dma_wait3A_118 = arith.constant 0 : i32
      %dma_wait3A_119 = arith.constant 0 : i32
      %dma_wait3A_120 = tpu.memref_slice %arg2[%dma_wait3A_118, %dma_wait3A_119] : memref<10000x128xf32, #tpu.memory_space<hbm>> -> memref<10000x128xf32, #tpu.memory_space<hbm>>
      tpu.wait_indirect_dma semaphore(%arg16 : memref<!tpu.dma_semaphore, #tpu.memory_space<semaphore_mem>>) src(%dma_wait3A_120 : memref<10000x128xf32, #tpu.memory_space<hbm>>) dst(%arg12 : memref<128x128xf32, #tpu.memory_space<vmem>>)
      %add3A_121 = arith.constant 1 : i32
      %add3A_122 = arith.addi %add3A_114, %add3A_121 : i32
      %lt3A_123 = arith.constant 158 : i32
      %lt3A_124 = arith.cmpi slt, %add3A_122, %lt3A_123 : i32
      %convert_element_type3A_125 = arith.extui %lt3A_124 : i1 to i32
      %cond3A_126 = arith.constant 0 : i32
      %cond3A_127 = arith.cmpi ne, %convert_element_type3A_125, %cond3A_126 : i32
      scf.if %cond3A_127 {
        %add3A_200 = arith.constant 1 : i32
        %add3A_201 = arith.addi %add3A_114, %add3A_200 : i32
        %dma_start3A_202 = arith.constant 0 : i32
        %dma_start3A_203 = tpu.memref_slice %arg9[%add3A_201, %dma_start3A_202] : memref<158x128xi32, #tpu.memory_space<vmem>> -> memref<1x128xi32, #tpu.memory_space<vmem>>
        %dma_start3A_204 = tpu.memref_squeeze %dma_start3A_203 : memref<1x128xi32, #tpu.memory_space<vmem>> -> memref<128xi32, #tpu.memory_space<vmem>>
        %dma_start3A_205 = arith.constant 0 : i32
        %dma_start3A_206 = arith.constant 0 : i32
        %dma_start3A_207 = tpu.memref_slice %arg2[%dma_start3A_205, %dma_start3A_206] : memref<10000x128xf32, #tpu.memory_space<hbm>> -> memref<10000x128xf32, #tpu.memory_space<hbm>>
        tpu.enqueue_indirect_dma source(%dma_start3A_207 : memref<10000x128xf32, #tpu.memory_space<hbm>>) target(%arg11 : memref<128x128xf32, #tpu.memory_space<vmem>>) offsets(%dma_start3A_204 : memref<128xi32, #tpu.memory_space<vmem>>) semaphore(%arg15 : memref<!tpu.dma_semaphore, #tpu.memory_space<semaphore_mem>>)
      } else {
      }
      %get3A_128 = arith.index_cast %add3A_114 : i32 to index
      %get3A_129 = arith.constant 0 : index
      %get3A_130 = tpu.vector_load %arg10[%get3A_128, %get3A_129] {strides = array<i32>} : memref<158x128xi32, #tpu.memory_space<vmem>>, vector<16xi32>,
      %shift_right_arithmetic3A_131 = arith.constant 7 : i32
      %shift_right_arithmetic3A_132 = vector.broadcast %shift_right_arithmetic3A_131 : i32 to vector<16xi32>
      %shift_right_arithmetic3A_133 = arith.shrsi %get3A_130, %shift_right_arithmetic3A_132 : vector<16xi32>
      %and3A_134 = arith.constant 127 : i32
      %and3A_135 = vector.broadcast %and3A_134 : i32 to vector<16xi32>
      %and3A_136 = arith.andi %get3A_130, %and3A_135 : vector<16xi32>
      tpu.vector_store_idx %arg13[%shift_right_arithmetic3A_133, %and3A_136], %broadcast_in_dim3A_5 {add = true} : memref<40x128xf32, #tpu.memory_space<vmem>>[vector<16xi32>, vector<16xi32>], vector<16xf32>,
      %get3A_137 = arith.index_cast %add3A_114 : i32 to index
      %get3A_138 = arith.constant 16 : index
      %get3A_139 = tpu.vector_load %arg10[%get3A_137, %get3A_138] {strides = array<i32>} : memref<158x128xi32, #tpu.memory_space<vmem>>, vector<16xi32>,
      %shift_right_arithmetic3A_140 = arith.constant 7 : i32
      %shift_right_arithmetic3A_141 = vector.broadcast %shift_right_arithmetic3A_140 : i32 to vector<16xi32>
      %shift_right_arithmetic3A_142 = arith.shrsi %get3A_139, %shift_right_arithmetic3A_141 : vector<16xi32>
      %and3A_143 = arith.constant 127 : i32
      %and3A_144 = vector.broadcast %and3A_143 : i32 to vector<16xi32>
      %and3A_145 = arith.andi %get3A_139, %and3A_144 : vector<16xi32>
      tpu.vector_store_idx %arg13[%shift_right_arithmetic3A_142, %and3A_145], %broadcast_in_dim3A_5 {add = true} : memref<40x128xf32, #tpu.memory_space<vmem>>[vector<16xi32>, vector<16xi32>], vector<16xf32>,
      %get3A_146 = arith.index_cast %add3A_114 : i32 to index
      %get3A_147 = arith.constant 32 : index
      %get3A_148 = tpu.vector_load %arg10[%get3A_146, %get3A_147] {strides = array<i32>} : memref<158x128xi32, #tpu.memory_space<vmem>>, vector<16xi32>,
      %shift_right_arithmetic3A_149 = arith.constant 7 : i32
      %shift_right_arithmetic3A_150 = vector.broadcast %shift_right_arithmetic3A_149 : i32 to vector<16xi32>
      %shift_right_arithmetic3A_151 = arith.shrsi %get3A_148, %shift_right_arithmetic3A_150 : vector<16xi32>
      %and3A_152 = arith.constant 127 : i32
      %and3A_153 = vector.broadcast %and3A_152 : i32 to vector<16xi32>
      %and3A_154 = arith.andi %get3A_148, %and3A_153 : vector<16xi32>
      tpu.vector_store_idx %arg13[%shift_right_arithmetic3A_151, %and3A_154], %broadcast_in_dim3A_5 {add = true} : memref<40x128xf32, #tpu.memory_space<vmem>>[vector<16xi32>, vector<16xi32>], vector<16xf32>,
      %get3A_155 = arith.index_cast %add3A_114 : i32 to index
      %get3A_156 = arith.constant 48 : index
      %get3A_157 = tpu.vector_load %arg10[%get3A_155, %get3A_156] {strides = array<i32>} : memref<158x128xi32, #tpu.memory_space<vmem>>, vector<16xi32>,
      %shift_right_arithmetic3A_158 = arith.constant 7 : i32
      %shift_right_arithmetic3A_159 = vector.broadcast %shift_right_arithmetic3A_158 : i32 to vector<16xi32>
      %shift_right_arithmetic3A_160 = arith.shrsi %get3A_157, %shift_right_arithmetic3A_159 : vector<16xi32>
      %and3A_161 = arith.constant 127 : i32
      %and3A_162 = vector.broadcast %and3A_161 : i32 to vector<16xi32>
      %and3A_163 = arith.andi %get3A_157, %and3A_162 : vector<16xi32>
      tpu.vector_store_idx %arg13[%shift_right_arithmetic3A_160, %and3A_163], %broadcast_in_dim3A_5 {add = true} : memref<40x128xf32, #tpu.memory_space<vmem>>[vector<16xi32>, vector<16xi32>], vector<16xf32>,
      %get3A_164 = arith.index_cast %add3A_114 : i32 to index
      %get3A_165 = arith.constant 64 : index
      %get3A_166 = tpu.vector_load %arg10[%get3A_164, %get3A_165] {strides = array<i32>} : memref<158x128xi32, #tpu.memory_space<vmem>>, vector<16xi32>,
      %shift_right_arithmetic3A_167 = arith.constant 7 : i32
      %shift_right_arithmetic3A_168 = vector.broadcast %shift_right_arithmetic3A_167 : i32 to vector<16xi32>
      %shift_right_arithmetic3A_169 = arith.shrsi %get3A_166, %shift_right_arithmetic3A_168 : vector<16xi32>
      %and3A_170 = arith.constant 127 : i32
      %and3A_171 = vector.broadcast %and3A_170 : i32 to vector<16xi32>
      %and3A_172 = arith.andi %get3A_166, %and3A_171 : vector<16xi32>
      tpu.vector_store_idx %arg13[%shift_right_arithmetic3A_169, %and3A_172], %broadcast_in_dim3A_5 {add = true} : memref<40x128xf32, #tpu.memory_space<vmem>>[vector<16xi32>, vector<16xi32>], vector<16xf32>,
      %get3A_173 = arith.index_cast %add3A_114 : i32 to index
      %get3A_174 = arith.constant 80 : index
      %get3A_175 = tpu.vector_load %arg10[%get3A_173, %get3A_174] {strides = array<i32>} : memref<158x128xi32, #tpu.memory_space<vmem>>, vector<16xi32>,
      %shift_right_arithmetic3A_176 = arith.constant 7 : i32
      %shift_right_arithmetic3A_177 = vector.broadcast %shift_right_arithmetic3A_176 : i32 to vector<16xi32>
      %shift_right_arithmetic3A_178 = arith.shrsi %get3A_175, %shift_right_arithmetic3A_177 : vector<16xi32>
      %and3A_179 = arith.constant 127 : i32
      %and3A_180 = vector.broadcast %and3A_179 : i32 to vector<16xi32>
      %and3A_181 = arith.andi %get3A_175, %and3A_180 : vector<16xi32>
      tpu.vector_store_idx %arg13[%shift_right_arithmetic3A_178, %and3A_181], %broadcast_in_dim3A_5 {add = true} : memref<40x128xf32, #tpu.memory_space<vmem>>[vector<16xi32>, vector<16xi32>], vector<16xf32>,
      %get3A_182 = arith.index_cast %add3A_114 : i32 to index
      %get3A_183 = arith.constant 96 : index
      %get3A_184 = tpu.vector_load %arg10[%get3A_182, %get3A_183] {strides = array<i32>} : memref<158x128xi32, #tpu.memory_space<vmem>>, vector<16xi32>,
      %shift_right_arithmetic3A_185 = arith.constant 7 : i32
      %shift_right_arithmetic3A_186 = vector.broadcast %shift_right_arithmetic3A_185 : i32 to vector<16xi32>
      %shift_right_arithmetic3A_187 = arith.shrsi %get3A_184, %shift_right_arithmetic3A_186 : vector<16xi32>
      %and3A_188 = arith.constant 127 : i32
      %and3A_189 = vector.broadcast %and3A_188 : i32 to vector<16xi32>
      %and3A_190 = arith.andi %get3A_184, %and3A_189 : vector<16xi32>
      tpu.vector_store_idx %arg13[%shift_right_arithmetic3A_187, %and3A_190], %broadcast_in_dim3A_5 {add = true} : memref<40x128xf32, #tpu.memory_space<vmem>>[vector<16xi32>, vector<16xi32>], vector<16xf32>,
      %get3A_191 = arith.index_cast %add3A_114 : i32 to index
      %get3A_192 = arith.constant 112 : index
      %get3A_193 = tpu.vector_load %arg10[%get3A_191, %get3A_192] {strides = array<i32>} : memref<158x128xi32, #tpu.memory_space<vmem>>, vector<16xi32>,
      %shift_right_arithmetic3A_194 = arith.constant 7 : i32
      %shift_right_arithmetic3A_195 = vector.broadcast %shift_right_arithmetic3A_194 : i32 to vector<16xi32>
      %shift_right_arithmetic3A_196 = arith.shrsi %get3A_193, %shift_right_arithmetic3A_195 : vector<16xi32>
      %and3A_197 = arith.constant 127 : i32
      %and3A_198 = vector.broadcast %and3A_197 : i32 to vector<16xi32>
      %and3A_199 = arith.andi %get3A_193, %and3A_198 : vector<16xi32>
      tpu.vector_store_idx %arg13[%shift_right_arithmetic3A_196, %and3A_199], %broadcast_in_dim3A_5 {add = true} : memref<40x128xf32, #tpu.memory_space<vmem>>[vector<16xi32>, vector<16xi32>], vector<16xf32>,
      "tpu.region"() ({
        %run_scoped3A = tpu.sem_alloc : memref<!tpu.dma_semaphore, #tpu.memory_space<semaphore_mem>>
        %dma_start3A_200 = arith.constant 0 : i32
        %dma_start3A_201 = tpu.memref_slice %arg10[%add3A_114, %dma_start3A_200] : memref<158x128xi32, #tpu.memory_space<vmem>> -> memref<1x128xi32, #tpu.memory_space<vmem>>
        %dma_start3A_202 = tpu.memref_squeeze %dma_start3A_201 : memref<1x128xi32, #tpu.memory_space<vmem>> -> memref<128xi32, #tpu.memory_space<vmem>>
        %dma_start3A_203 = arith.constant 0 : i32
        %dma_start3A_204 = arith.constant 0 : i32
        %dma_start3A_205 = tpu.memref_slice %arg17[%dma_start3A_203, %dma_start3A_204] : memref<5120x128xf32, #tpu.memory_space<vmem_shared>> -> memref<5120x128xf32, #tpu.memory_space<vmem_shared>>
        tpu.enqueue_indirect_dma source(%arg12 : memref<128x128xf32, #tpu.memory_space<vmem>>) target(%dma_start3A_205 : memref<5120x128xf32, #tpu.memory_space<vmem_shared>>) offsets(%dma_start3A_202 : memref<128xi32, #tpu.memory_space<vmem>>) semaphore(%run_scoped3A : memref<!tpu.dma_semaphore, #tpu.memory_space<semaphore_mem>>) {add = true}
        %dma_wait3A_206 = arith.constant 0 : i32
        %dma_wait3A_207 = tpu.memref_slice %arg10[%add3A_114, %dma_wait3A_206] : memref<158x128xi32, #tpu.memory_space<vmem>> -> memref<1x128xi32, #tpu.memory_space<vmem>>
        %dma_wait3A_208 = tpu.memref_squeeze %dma_wait3A_207 : memref<1x128xi32, #tpu.memory_space<vmem>> -> memref<128xi32, #tpu.memory_space<vmem>>
        %dma_wait3A_209 = arith.constant 0 : i32
        %dma_wait3A_210 = arith.constant 0 : i32
        %dma_wait3A_211 = tpu.memref_slice %arg17[%dma_wait3A_209, %dma_wait3A_210] : memref<5120x128xf32, #tpu.memory_space<vmem_shared>> -> memref<5120x128xf32, #tpu.memory_space<vmem_shared>>
        tpu.wait_indirect_dma semaphore(%run_scoped3A : memref<!tpu.dma_semaphore, #tpu.memory_space<semaphore_mem>>) src(%arg12 : memref<128x128xf32, #tpu.memory_space<vmem>>) dst(%dma_wait3A_211 : memref<5120x128xf32, #tpu.memory_space<vmem_shared>>)
        tpu.yield
      }) : () -> ()
    }
    %scan3A_15 = arith.constant 79 : i32
    %barrier3A_16 = arith.constant 0 : index
    tpu.barrier barrier_id(%barrier3A_16)
    "tpu.region"() ({
      %run_scoped3A = tpu.sem_alloc : memref<!tpu.dma_semaphore, #tpu.memory_space<semaphore_mem>>
      %dma_start3A_27 = arith.constant 0 : i32
      %dma_start3A_28 = arith.constant 0 : i32
      %dma_start3A_29 = tpu.memref_slice %arg18[%dma_start3A_27, %dma_start3A_28] : memref<40x128xf32, #tpu.memory_space<vmem_shared>> -> memref<40x128xf32, #tpu.memory_space<vmem_shared>>
      tpu.enqueue_indirect_dma source(%arg13 : memref<40x128xf32, #tpu.memory_space<vmem>>) target(%dma_start3A_29 : memref<40x128xf32, #tpu.memory_space<vmem_shared>>) offsets(%arg14 : memref<40xi32, #tpu.memory_space<vmem>>) semaphore(%run_scoped3A : memref<!tpu.dma_semaphore, #tpu.memory_space<semaphore_mem>>) {add = true}
      %dma_wait3A = arith.constant 0 : i32
      %dma_wait3A_30 = arith.constant 0 : i32
      %dma_wait3A_31 = tpu.memref_slice %arg18[%dma_wait3A, %dma_wait3A_30] : memref<40x128xf32, #tpu.memory_space<vmem_shared>> -> memref<40x128xf32, #tpu.memory_space<vmem_shared>>
      tpu.wait_indirect_dma semaphore(%run_scoped3A : memref<!tpu.dma_semaphore, #tpu.memory_space<semaphore_mem>>) src(%arg13 : memref<40x128xf32, #tpu.memory_space<vmem>>) dst(%dma_wait3A_31 : memref<40x128xf32, #tpu.memory_space<vmem_shared>>)
      tpu.yield
    }) : () -> ()
    %barrier3A_17 = arith.constant 0 : index
    tpu.barrier barrier_id(%barrier3A_17)
    %mul3A_18 = arith.constant 312 : i32
    %mul3A_19 = arith.muli %arg1, %mul3A_18 : i32
    %mul3A_20 = arith.constant 312 : i32
    %mul3A_21 = arith.muli %arg1, %mul3A_20 : i32
    "tpu.region"() ({
      %run_scoped3A = tpu.sem_alloc : memref<!tpu.dma_semaphore, #tpu.memory_space<semaphore_mem>>
      %dma_start3A_27 = arith.constant 0 : i32
      %dma_start3A_28 = tpu.memref_slice %arg7[%arg0, %mul3A_21, %dma_start3A_27] : memref<2x5000x128xf32, #tpu.memory_space<hbm>> -> memref<1x312x128xf32, #tpu.memory_space<hbm>>
      %dma_start3A_29 = tpu.memref_squeeze %dma_start3A_28 : memref<1x312x128xf32, #tpu.memory_space<hbm>> -> memref<312x128xf32, #tpu.memory_space<hbm>>
      %dma_start3A_30 = arith.constant 0 : i32
      %dma_start3A_31 = tpu.memref_slice %arg17[%mul3A_19, %dma_start3A_30] : memref<5120x128xf32, #tpu.memory_space<vmem_shared>> -> memref<312x128xf32, #tpu.memory_space<vmem_shared>>
      tpu.enqueue_dma source(%dma_start3A_31 : memref<312x128xf32, #tpu.memory_space<vmem_shared>>) target(%dma_start3A_29 : memref<312x128xf32, #tpu.memory_space<hbm>>) target_semaphore(%run_scoped3A : memref<!tpu.dma_semaphore, #tpu.memory_space<semaphore_mem>>)
      %dma_wait3A = arith.constant 0 : i32
      %dma_wait3A_32 = tpu.memref_slice %arg7[%arg0, %mul3A_21, %dma_wait3A] : memref<2x5000x128xf32, #tpu.memory_space<hbm>> -> memref<1x312x128xf32, #tpu.memory_space<hbm>>
      %dma_wait3A_33 = tpu.memref_squeeze %dma_wait3A_32 : memref<1x312x128xf32, #tpu.memory_space<hbm>> -> memref<312x128xf32, #tpu.memory_space<hbm>>
      %dma_wait3A_34 = arith.constant 0 : i32
      %dma_wait3A_35 = tpu.memref_slice %arg17[%mul3A_19, %dma_wait3A_34] : memref<5120x128xf32, #tpu.memory_space<vmem_shared>> -> memref<312x128xf32, #tpu.memory_space<vmem_shared>>
      tpu.wait_dma2 semaphore(%run_scoped3A : memref<!tpu.dma_semaphore, #tpu.memory_space<semaphore_mem>>) src(%dma_wait3A_35 : memref<312x128xf32, #tpu.memory_space<vmem_shared>>) dst(%dma_wait3A_33 : memref<312x128xf32, #tpu.memory_space<hbm>>)
      tpu.yield
    }) : () -> ()
    %eq3A_22 = arith.constant 0 : i32
    %eq3A_23 = arith.cmpi eq, %arg1, %eq3A_22 : i32
    %convert_element_type3A_24 = arith.extui %eq3A_23 : i1 to i32
    %cond3A_25 = arith.constant 0 : i32
    %cond3A_26 = arith.cmpi ne, %convert_element_type3A_24, %cond3A_25 : i32
    scf.if %cond3A_26 {
      "tpu.region"() ({
        %run_scoped3A = tpu.sem_alloc : memref<!tpu.dma_semaphore, #tpu.memory_space<semaphore_mem>>
        %dma_start3A_27 = arith.constant 4992 : i32
        %dma_start3A_28 = arith.constant 0 : i32
        %dma_start3A_29 = tpu.memref_slice %arg7[%arg0, %dma_start3A_27, %dma_start3A_28] : memref<2x5000x128xf32, #tpu.memory_space<hbm>> -> memref<1x8x128xf32, #tpu.memory_space<hbm>>
        %dma_start3A_30 = tpu.memref_squeeze %dma_start3A_29 : memref<1x8x128xf32, #tpu.memory_space<hbm>> -> memref<8x128xf32, #tpu.memory_space<hbm>>
        %dma_start3A_31 = arith.constant 4992 : i32
        %dma_start3A_32 = arith.constant 0 : i32
        %dma_start3A_33 = tpu.memref_slice %arg17[%dma_start3A_31, %dma_start3A_32] : memref<5120x128xf32, #tpu.memory_space<vmem_shared>> -> memref<8x128xf32, #tpu.memory_space<vmem_shared>>
        tpu.enqueue_dma source(%dma_start3A_33 : memref<8x128xf32, #tpu.memory_space<vmem_shared>>) target(%dma_start3A_30 : memref<8x128xf32, #tpu.memory_space<hbm>>) target_semaphore(%run_scoped3A : memref<!tpu.dma_semaphore, #tpu.memory_space<semaphore_mem>>)
        %dma_wait3A = arith.constant 4992 : i32
        %dma_wait3A_34 = arith.constant 0 : i32
        %dma_wait3A_35 = tpu.memref_slice %arg7[%arg0, %dma_wait3A, %dma_wait3A_34] : memref<2x5000x128xf32, #tpu.memory_space<hbm>> -> memref<1x8x128xf32, #tpu.memory_space<hbm>>
        %dma_wait3A_36 = tpu.memref_squeeze %dma_wait3A_35 : memref<1x8x128xf32, #tpu.memory_space<hbm>> -> memref<8x128xf32, #tpu.memory_space<hbm>>
        %dma_wait3A_37 = arith.constant 4992 : i32
        %dma_wait3A_38 = arith.constant 0 : i32
        %dma_wait3A_39 = tpu.memref_slice %arg17[%dma_wait3A_37, %dma_wait3A_38] : memref<5120x128xf32, #tpu.memory_space<vmem_shared>> -> memref<8x128xf32, #tpu.memory_space<vmem_shared>>
        tpu.wait_dma2 semaphore(%run_scoped3A : memref<!tpu.dma_semaphore, #tpu.memory_space<semaphore_mem>>) src(%dma_wait3A_39 : memref<8x128xf32, #tpu.memory_space<vmem_shared>>) dst(%dma_wait3A_36 : memref<8x128xf32, #tpu.memory_space<hbm>>)
        tpu.yield
      }) : () -> ()
      "tpu.region"() ({
        %run_scoped3A = tpu.sem_alloc : memref<!tpu.dma_semaphore, #tpu.memory_space<semaphore_mem>>
        %dma_start3A_27 = arith.constant 0 : i32
        %dma_start3A_28 = arith.constant 0 : i32
        %dma_start3A_29 = tpu.memref_slice %arg8[%arg0, %dma_start3A_27, %dma_start3A_28] : memref<2x40x128xf32, #tpu.memory_space<hbm>> -> memref<1x40x128xf32, #tpu.memory_space<hbm>>
        %dma_start3A_30 = tpu.memref_squeeze %dma_start3A_29 : memref<1x40x128xf32, #tpu.memory_space<hbm>> -> memref<40x128xf32, #tpu.memory_space<hbm>>
        tpu.enqueue_dma source(%arg18 : memref<40x128xf32, #tpu.memory_space<vmem_shared>>) target(%dma_start3A_30 : memref<40x128xf32, #tpu.memory_space<hbm>>) target_semaphore(%run_scoped3A : memref<!tpu.dma_semaphore, #tpu.memory_space<semaphore_mem>>)
        %dma_wait3A = arith.constant 0 : i32
        %dma_wait3A_31 = arith.constant 0 : i32
        %dma_wait3A_32 = tpu.memref_slice %arg8[%arg0, %dma_wait3A, %dma_wait3A_31] : memref<2x40x128xf32, #tpu.memory_space<hbm>> -> memref<1x40x128xf32, #tpu.memory_space<hbm>>
        %dma_wait3A_33 = tpu.memref_squeeze %dma_wait3A_32 : memref<1x40x128xf32, #tpu.memory_space<hbm>> -> memref<40x128xf32, #tpu.memory_space<hbm>>
        tpu.wait_dma2 semaphore(%run_scoped3A : memref<!tpu.dma_semaphore, #tpu.memory_space<semaphore_mem>>) src(%arg18 : memref<40x128xf32, #tpu.memory_space<vmem_shared>>) dst(%dma_wait3A_33 : memref<40x128xf32, #tpu.memory_space<hbm>>)
        tpu.yield
      }) : () -> ()
    } else {
    }
    return
  }
}

#map = affine_map<(d0, d1) -> (0, 0)>
#map1 = affine_map<(d0, d1) -> (0, 0, 0)>
#map2 = affine_map<(d0, d1) -> (0, 0, 0, 0)>
#map3 = affine_map<(d0, d1) -> (0)>
module attributes {stable_mosaic.version = 14 : i64} {
  func.func @_sc_segsum_body(%arg0: i32, %arg1: i32, %arg2: memref<10000x128xf32, #tpu.memory_space<hbm>>, %arg3: memref<16x158x128xi32, #tpu.memory_space<hbm>>, %arg4: memref<2x16x158x128xi32, #tpu.memory_space<hbm>>, %arg5: memref<5120x128xf32, #tpu.memory_space<hbm>>, %arg6: memref<40xi32, #tpu.memory_space<hbm>>, %arg7: memref<2x5000x128xf32, #tpu.memory_space<hbm>>, %arg8: memref<2x40x128xf32, #tpu.memory_space<hbm>>, %arg9: memref<158x128xi32, #tpu.memory_space<vmem>>, %arg10: memref<158x128xi32, #tpu.memory_space<vmem>>, %arg11: memref<128x128xf32, #tpu.memory_space<vmem>>, %arg12: memref<128x128xf32, #tpu.memory_space<vmem>>, %arg13: memref<40x128xf32, #tpu.memory_space<vmem>>, %arg14: memref<40xi32, #tpu.memory_space<vmem>>, %arg15: memref<!tpu.dma_semaphore, #tpu.memory_space<semaphore_mem>>, %arg16: memref<!tpu.dma_semaphore, #tpu.memory_space<semaphore_mem>>, %arg17: memref<5120x128xf32, #tpu.memory_space<vmem_shared>>, %arg18: memref<40x128xf32, #tpu.memory_space<vmem_shared>>) attributes {dimension_semantics = [#tpu.dimension_semantics<core_parallel>, #tpu.dimension_semantics<subcore_parallel>], iteration_bounds = array<i64: 2, 16>, scalar_prefetch = 0 : i64, scratch_operands = 10 : i64, tpu.core_type = #tpu.core_type<sc_vector_subcore>, window_params = [{transform_indices = #map}, {transform_indices = #map1}, {transform_indices = #map2}, {transform_indices = #map}, {transform_indices = #map3}, {transform_indices = #map1}, {transform_indices = #map1}]} {
    %mul3A = arith.constant 320 : i32
    %mul3A_0 = arith.muli %arg1, %mul3A : i32
    %mul3A_1 = arith.constant 320 : i32
    %mul3A_2 = arith.muli %arg1, %mul3A_1 : i32
    "tpu.region"() ({
      %run_scoped3A = tpu.sem_alloc : memref<!tpu.dma_semaphore, #tpu.memory_space<semaphore_mem>>
      %dma_start3A_27 = arith.constant 0 : i32
      %dma_start3A_28 = tpu.memref_slice %arg17[%mul3A_2, %dma_start3A_27] : memref<5120x128xf32, #tpu.memory_space<vmem_shared>> -> memref<320x128xf32, #tpu.memory_space<vmem_shared>>
      %dma_start3A_29 = arith.constant 0 : i32
      %dma_start3A_30 = tpu.memref_slice %arg5[%mul3A_0, %dma_start3A_29] : memref<5120x128xf32, #tpu.memory_space<hbm>> -> memref<320x128xf32, #tpu.memory_space<hbm>>
      tpu.enqueue_dma source(%dma_start3A_30 : memref<320x128xf32, #tpu.memory_space<hbm>>) target(%dma_start3A_28 : memref<320x128xf32, #tpu.memory_space<vmem_shared>>) target_semaphore(%run_scoped3A : memref<!tpu.dma_semaphore, #tpu.memory_space<semaphore_mem>>)
      %dma_wait3A = arith.constant 0 : i32
      %dma_wait3A_31 = tpu.memref_slice %arg17[%mul3A_2, %dma_wait3A] : memref<5120x128xf32, #tpu.memory_space<vmem_shared>> -> memref<320x128xf32, #tpu.memory_space<vmem_shared>>
      %dma_wait3A_32 = arith.constant 0 : i32
      %dma_wait3A_33 = tpu.memref_slice %arg5[%mul3A_0, %dma_wait3A_32] : memref<5120x128xf32, #tpu.memory_space<hbm>> -> memref<320x128xf32, #tpu.memory_space<hbm>>
      tpu.wait_dma2 semaphore(%run_scoped3A : memref<!tpu.dma_semaphore, #tpu.memory_space<semaphore_mem>>) src(%dma_wait3A_33 : memref<320x128xf32, #tpu.memory_space<hbm>>) dst(%dma_wait3A_31 : memref<320x128xf32, #tpu.memory_space<vmem_shared>>)
      tpu.yield
    }) : () -> ()
    "tpu.region"() ({
      %run_scoped3A = tpu.sem_alloc : memref<!tpu.dma_semaphore, #tpu.memory_space<semaphore_mem>>
      %dma_start3A_27 = arith.constant 0 : i32
      %dma_start3A_28 = arith.constant 0 : i32
      %dma_start3A_29 = tpu.memref_slice %arg5[%dma_start3A_27, %dma_start3A_28] : memref<5120x128xf32, #tpu.memory_space<hbm>> -> memref<40x128xf32, #tpu.memory_space<hbm>>
      %dma_start3A_30 = arith.constant 0 : i32
      %dma_start3A_31 = arith.constant 0 : i32
      %dma_start3A_32 = tpu.memref_slice %arg5[%dma_start3A_30, %dma_start3A_31] : memref<5120x128xf32, #tpu.memory_space<hbm>> -> memref<40x128xf32, #tpu.memory_space<hbm>>
      tpu.enqueue_dma source(%dma_start3A_32 : memref<40x128xf32, #tpu.memory_space<hbm>>) target(%arg13 : memref<40x128xf32, #tpu.memory_space<vmem>>) target_semaphore(%run_scoped3A : memref<!tpu.dma_semaphore, #tpu.memory_space<semaphore_mem>>)
      %dma_wait3A = arith.constant 0 : i32
      %dma_wait3A_33 = arith.constant 0 : i32
      %dma_wait3A_34 = tpu.memref_slice %arg5[%dma_wait3A, %dma_wait3A_33] : memref<5120x128xf32, #tpu.memory_space<hbm>> -> memref<40x128xf32, #tpu.memory_space<hbm>>
      %dma_wait3A_35 = arith.constant 0 : i32
      %dma_wait3A_36 = arith.constant 0 : i32
      %dma_wait3A_37 = tpu.memref_slice %arg5[%dma_wait3A_35, %dma_wait3A_36] : memref<5120x128xf32, #tpu.memory_space<hbm>> -> memref<40x128xf32, #tpu.memory_space<hbm>>
      tpu.wait_dma2 semaphore(%run_scoped3A : memref<!tpu.dma_semaphore, #tpu.memory_space<semaphore_mem>>) src(%dma_wait3A_37 : memref<40x128xf32, #tpu.memory_space<hbm>>) dst(%arg13 : memref<40x128xf32, #tpu.memory_space<vmem>>)
      tpu.yield
    }) : () -> ()
    "tpu.region"() ({
      %run_scoped3A = tpu.sem_alloc : memref<!tpu.dma_semaphore, #tpu.memory_space<semaphore_mem>>
      tpu.enqueue_dma source(%arg6 : memref<40xi32, #tpu.memory_space<hbm>>) target(%arg14 : memref<40xi32, #tpu.memory_space<vmem>>) target_semaphore(%run_scoped3A : memref<!tpu.dma_semaphore, #tpu.memory_space<semaphore_mem>>)
      tpu.wait_dma2 semaphore(%run_scoped3A : memref<!tpu.dma_semaphore, #tpu.memory_space<semaphore_mem>>) src(%arg6 : memref<40xi32, #tpu.memory_space<hbm>>) dst(%arg14 : memref<40xi32, #tpu.memory_space<vmem>>)
      tpu.yield
    }) : () -> ()
    %eq3A = arith.constant 0 : i32
    %eq3A_3 = arith.cmpi eq, %arg1, %eq3A : i32
    %convert_element_type3A = arith.extui %eq3A_3 : i1 to i32
    %cond3A = arith.constant 0 : i32
    %cond3A_4 = arith.cmpi ne, %convert_element_type3A, %cond3A : i32
    scf.if %cond3A_4 {
      "tpu.region"() ({
        %run_scoped3A = tpu.sem_alloc : memref<!tpu.dma_semaphore, #tpu.memory_space<semaphore_mem>>
        %dma_start3A_27 = arith.constant 0 : i32
        %dma_start3A_28 = arith.constant 0 : i32
        %dma_start3A_29 = tpu.memref_slice %arg5[%dma_start3A_27, %dma_start3A_28] : memref<5120x128xf32, #tpu.memory_space<hbm>> -> memref<40x128xf32, #tpu.memory_space<hbm>>
        tpu.enqueue_dma source(%dma_start3A_29 : memref<40x128xf32, #tpu.memory_space<hbm>>) target(%arg18 : memref<40x128xf32, #tpu.memory_space<vmem_shared>>) target_semaphore(%run_scoped3A : memref<!tpu.dma_semaphore, #tpu.memory_space<semaphore_mem>>)
        %dma_wait3A = arith.constant 0 : i32
        %dma_wait3A_30 = arith.constant 0 : i32
        %dma_wait3A_31 = tpu.memref_slice %arg5[%dma_wait3A, %dma_wait3A_30] : memref<5120x128xf32, #tpu.memory_space<hbm>> -> memref<40x128xf32, #tpu.memory_space<hbm>>
        tpu.wait_dma2 semaphore(%run_scoped3A : memref<!tpu.dma_semaphore, #tpu.memory_space<semaphore_mem>>) src(%dma_wait3A_31 : memref<40x128xf32, #tpu.memory_space<hbm>>) dst(%arg18 : memref<40x128xf32, #tpu.memory_space<vmem_shared>>)
        tpu.yield
      }) : () -> ()
    } else {
    }
    "tpu.region"() ({
      %run_scoped3A = tpu.sem_alloc : memref<!tpu.dma_semaphore, #tpu.memory_space<semaphore_mem>>
      %dma_start3A_27 = arith.constant 0 : i32
      %dma_start3A_28 = arith.constant 0 : i32
      %dma_start3A_29 = tpu.memref_slice %arg3[%arg1, %dma_start3A_27, %dma_start3A_28] : memref<16x158x128xi32, #tpu.memory_space<hbm>> -> memref<1x158x128xi32, #tpu.memory_space<hbm>>
      %dma_start3A_30 = tpu.memref_squeeze %dma_start3A_29 : memref<1x158x128xi32, #tpu.memory_space<hbm>> -> memref<158x128xi32, #tpu.memory_space<hbm>>
      %dma_start3A_31 = arith.constant 0 : i32
      %dma_start3A_32 = arith.constant 0 : i32
      %dma_start3A_33 = tpu.memref_slice %arg3[%arg1, %dma_start3A_31, %dma_start3A_32] : memref<16x158x128xi32, #tpu.memory_space<hbm>> -> memref<1x158x128xi32, #tpu.memory_space<hbm>>
      %dma_start3A_34 = tpu.memref_squeeze %dma_start3A_33 : memref<1x158x128xi32, #tpu.memory_space<hbm>> -> memref<158x128xi32, #tpu.memory_space<hbm>>
      tpu.enqueue_dma source(%dma_start3A_34 : memref<158x128xi32, #tpu.memory_space<hbm>>) target(%arg9 : memref<158x128xi32, #tpu.memory_space<vmem>>) target_semaphore(%run_scoped3A : memref<!tpu.dma_semaphore, #tpu.memory_space<semaphore_mem>>)
      %dma_wait3A = arith.constant 0 : i32
      %dma_wait3A_35 = arith.constant 0 : i32
      %dma_wait3A_36 = tpu.memref_slice %arg3[%arg1, %dma_wait3A, %dma_wait3A_35] : memref<16x158x128xi32, #tpu.memory_space<hbm>> -> memref<1x158x128xi32, #tpu.memory_space<hbm>>
      %dma_wait3A_37 = tpu.memref_squeeze %dma_wait3A_36 : memref<1x158x128xi32, #tpu.memory_space<hbm>> -> memref<158x128xi32, #tpu.memory_space<hbm>>
      %dma_wait3A_38 = arith.constant 0 : i32
      %dma_wait3A_39 = arith.constant 0 : i32
      %dma_wait3A_40 = tpu.memref_slice %arg3[%arg1, %dma_wait3A_38, %dma_wait3A_39] : memref<16x158x128xi32, #tpu.memory_space<hbm>> -> memref<1x158x128xi32, #tpu.memory_space<hbm>>
      %dma_wait3A_41 = tpu.memref_squeeze %dma_wait3A_40 : memref<1x158x128xi32, #tpu.memory_space<hbm>> -> memref<158x128xi32, #tpu.memory_space<hbm>>
      tpu.wait_dma2 semaphore(%run_scoped3A : memref<!tpu.dma_semaphore, #tpu.memory_space<semaphore_mem>>) src(%dma_wait3A_41 : memref<158x128xi32, #tpu.memory_space<hbm>>) dst(%arg9 : memref<158x128xi32, #tpu.memory_space<vmem>>)
      tpu.yield
    }) : () -> ()
    "tpu.region"() ({
      %run_scoped3A = tpu.sem_alloc : memref<!tpu.dma_semaphore, #tpu.memory_space<semaphore_mem>>
      %dma_start3A_27 = arith.constant 0 : i32
      %dma_start3A_28 = arith.constant 0 : i32
      %dma_start3A_29 = tpu.memref_slice %arg4[%arg0, %arg1, %dma_start3A_27, %dma_start3A_28] : memref<2x16x158x128xi32, #tpu.memory_space<hbm>> -> memref<1x1x158x128xi32, #tpu.memory_space<hbm>>
      %dma_start3A_30 = tpu.memref_squeeze %dma_start3A_29 : memref<1x1x158x128xi32, #tpu.memory_space<hbm>> -> memref<158x128xi32, #tpu.memory_space<hbm>>
      %dma_start3A_31 = arith.constant 0 : i32
      %dma_start3A_32 = arith.constant 0 : i32
      %dma_start3A_33 = tpu.memref_slice %arg4[%arg0, %arg1, %dma_start3A_31, %dma_start3A_32] : memref<2x16x158x128xi32, #tpu.memory_space<hbm>> -> memref<1x1x158x128xi32, #tpu.memory_space<hbm>>
      %dma_start3A_34 = tpu.memref_squeeze %dma_start3A_33 : memref<1x1x158x128xi32, #tpu.memory_space<hbm>> -> memref<158x128xi32, #tpu.memory_space<hbm>>
      tpu.enqueue_dma source(%dma_start3A_34 : memref<158x128xi32, #tpu.memory_space<hbm>>) target(%arg10 : memref<158x128xi32, #tpu.memory_space<vmem>>) target_semaphore(%run_scoped3A : memref<!tpu.dma_semaphore, #tpu.memory_space<semaphore_mem>>)
      %dma_wait3A = arith.constant 0 : i32
      %dma_wait3A_35 = arith.constant 0 : i32
      %dma_wait3A_36 = tpu.memref_slice %arg4[%arg0, %arg1, %dma_wait3A, %dma_wait3A_35] : memref<2x16x158x128xi32, #tpu.memory_space<hbm>> -> memref<1x1x158x128xi32, #tpu.memory_space<hbm>>
      %dma_wait3A_37 = tpu.memref_squeeze %dma_wait3A_36 : memref<1x1x158x128xi32, #tpu.memory_space<hbm>> -> memref<158x128xi32, #tpu.memory_space<hbm>>
      %dma_wait3A_38 = arith.constant 0 : i32
      %dma_wait3A_39 = arith.constant 0 : i32
      %dma_wait3A_40 = tpu.memref_slice %arg4[%arg0, %arg1, %dma_wait3A_38, %dma_wait3A_39] : memref<2x16x158x128xi32, #tpu.memory_space<hbm>> -> memref<1x1x158x128xi32, #tpu.memory_space<hbm>>
      %dma_wait3A_41 = tpu.memref_squeeze %dma_wait3A_40 : memref<1x1x158x128xi32, #tpu.memory_space<hbm>> -> memref<158x128xi32, #tpu.memory_space<hbm>>
      tpu.wait_dma2 semaphore(%run_scoped3A : memref<!tpu.dma_semaphore, #tpu.memory_space<semaphore_mem>>) src(%dma_wait3A_41 : memref<158x128xi32, #tpu.memory_space<hbm>>) dst(%arg10 : memref<158x128xi32, #tpu.memory_space<vmem>>)
      tpu.yield
    }) : () -> ()
    %barrier3A = arith.constant 0 : index
    tpu.barrier barrier_id(%barrier3A)
    %broadcast_in_dim3A = arith.constant 1.000000e+00 : f32
    %broadcast_in_dim3A_5 = vector.broadcast %broadcast_in_dim3A : f32 to vector<16xf32>
    %dma_start3A = arith.constant 0 : i32
    %dma_start3A_6 = arith.constant 0 : i32
    %dma_start3A_7 = tpu.memref_slice %arg9[%dma_start3A, %dma_start3A_6] : memref<158x128xi32, #tpu.memory_space<vmem>> -> memref<1x128xi32, #tpu.memory_space<vmem>>
    %dma_start3A_8 = tpu.memref_squeeze %dma_start3A_7 : memref<1x128xi32, #tpu.memory_space<vmem>> -> memref<128xi32, #tpu.memory_space<vmem>>
    %dma_start3A_9 = arith.constant 0 : i32
    %dma_start3A_10 = arith.constant 0 : i32
    %dma_start3A_11 = tpu.memref_slice %arg2[%dma_start3A_9, %dma_start3A_10] : memref<10000x128xf32, #tpu.memory_space<hbm>> -> memref<10000x128xf32, #tpu.memory_space<hbm>>
    tpu.enqueue_indirect_dma source(%dma_start3A_11 : memref<10000x128xf32, #tpu.memory_space<hbm>>) target(%arg11 : memref<128x128xf32, #tpu.memory_space<vmem>>) offsets(%dma_start3A_8 : memref<128xi32, #tpu.memory_space<vmem>>) semaphore(%arg15 : memref<!tpu.dma_semaphore, #tpu.memory_space<semaphore_mem>>)
    %scan3A = arith.constant 0 : i32
    %scan3A_12 = arith.constant 79 : i32
    %scan3A_13 = arith.addi %scan3A, %scan3A_12 : i32
    %scan3A_14 = arith.constant 1 : i32
    scf.for %scan3A_27 = %scan3A to %scan3A_13 step %scan3A_14  : i32 {
      %mul3A_28 = arith.constant 2 : i32
      %mul3A_29 = arith.muli %scan3A_27, %mul3A_28 : i32
      %add3A = arith.constant 0 : i32
      %add3A_30 = arith.addi %add3A, %mul3A_29 : i32
      %add3A_31 = arith.constant 0 : i32
      %add3A_32 = arith.addi %add3A_30, %add3A_31 : i32
      %dma_wait3A = arith.constant 0 : i32
      %dma_wait3A_33 = tpu.memref_slice %arg9[%add3A_32, %dma_wait3A] : memref<158x128xi32, #tpu.memory_space<vmem>> -> memref<1x128xi32, #tpu.memory_space<vmem>>
      %dma_wait3A_34 = tpu.memref_squeeze %dma_wait3A_33 : memref<1x128xi32, #tpu.memory_space<vmem>> -> memref<128xi32, #tpu.memory_space<vmem>>
      %dma_wait3A_35 = arith.constant 0 : i32
      %dma_wait3A_36 = arith.constant 0 : i32
      %dma_wait3A_37 = tpu.memref_slice %arg2[%dma_wait3A_35, %dma_wait3A_36] : memref<10000x128xf32, #tpu.memory_space<hbm>> -> memref<10000x128xf32, #tpu.memory_space<hbm>>
      tpu.wait_indirect_dma semaphore(%arg15 : memref<!tpu.dma_semaphore, #tpu.memory_space<semaphore_mem>>) src(%dma_wait3A_37 : memref<10000x128xf32, #tpu.memory_space<hbm>>) dst(%arg11 : memref<128x128xf32, #tpu.memory_space<vmem>>)
      %add3A_38 = arith.constant 1 : i32
      %add3A_39 = arith.addi %add3A_32, %add3A_38 : i32
      %lt3A = arith.constant 158 : i32
      %lt3A_40 = arith.cmpi slt, %add3A_39, %lt3A : i32
      %convert_element_type3A_41 = arith.extui %lt3A_40 : i1 to i32
      %cond3A_42 = arith.constant 0 : i32
      %cond3A_43 = arith.cmpi ne, %convert_element_type3A_41, %cond3A_42 : i32
      scf.if %cond3A_43 {
        %add3A_200 = arith.constant 1 : i32
        %add3A_201 = arith.addi %add3A_32, %add3A_200 : i32
        %dma_start3A_202 = arith.constant 0 : i32
        %dma_start3A_203 = tpu.memref_slice %arg9[%add3A_201, %dma_start3A_202] : memref<158x128xi32, #tpu.memory_space<vmem>> -> memref<1x128xi32, #tpu.memory_space<vmem>>
        %dma_start3A_204 = tpu.memref_squeeze %dma_start3A_203 : memref<1x128xi32, #tpu.memory_space<vmem>> -> memref<128xi32, #tpu.memory_space<vmem>>
        %dma_start3A_205 = arith.constant 0 : i32
        %dma_start3A_206 = arith.constant 0 : i32
        %dma_start3A_207 = tpu.memref_slice %arg2[%dma_start3A_205, %dma_start3A_206] : memref<10000x128xf32, #tpu.memory_space<hbm>> -> memref<10000x128xf32, #tpu.memory_space<hbm>>
        tpu.enqueue_indirect_dma source(%dma_start3A_207 : memref<10000x128xf32, #tpu.memory_space<hbm>>) target(%arg12 : memref<128x128xf32, #tpu.memory_space<vmem>>) offsets(%dma_start3A_204 : memref<128xi32, #tpu.memory_space<vmem>>) semaphore(%arg16 : memref<!tpu.dma_semaphore, #tpu.memory_space<semaphore_mem>>)
      } else {
      }
      %get3A = arith.index_cast %add3A_32 : i32 to index
      %get3A_44 = arith.constant 0 : index
      %get3A_45 = tpu.vector_load %arg10[%get3A, %get3A_44] {strides = array<i32>} : memref<158x128xi32, #tpu.memory_space<vmem>>, vector<16xi32>,
      %shift_right_arithmetic3A = arith.constant 7 : i32
      %shift_right_arithmetic3A_46 = vector.broadcast %shift_right_arithmetic3A : i32 to vector<16xi32>
      %shift_right_arithmetic3A_47 = arith.shrsi %get3A_45, %shift_right_arithmetic3A_46 : vector<16xi32>
      %and3A = arith.constant 127 : i32
      %and3A_48 = vector.broadcast %and3A : i32 to vector<16xi32>
      %and3A_49 = arith.andi %get3A_45, %and3A_48 : vector<16xi32>
      tpu.vector_store_idx %arg13[%shift_right_arithmetic3A_47, %and3A_49], %broadcast_in_dim3A_5 {add = true} : memref<40x128xf32, #tpu.memory_space<vmem>>[vector<16xi32>, vector<16xi32>], vector<16xf32>,
      %get3A_50 = arith.index_cast %add3A_32 : i32 to index
      %get3A_51 = arith.constant 16 : index
      %get3A_52 = tpu.vector_load %arg10[%get3A_50, %get3A_51] {strides = array<i32>} : memref<158x128xi32, #tpu.memory_space<vmem>>, vector<16xi32>,
      %shift_right_arithmetic3A_53 = arith.constant 7 : i32
      %shift_right_arithmetic3A_54 = vector.broadcast %shift_right_arithmetic3A_53 : i32 to vector<16xi32>
      %shift_right_arithmetic3A_55 = arith.shrsi %get3A_52, %shift_right_arithmetic3A_54 : vector<16xi32>
      %and3A_56 = arith.constant 127 : i32
      %and3A_57 = vector.broadcast %and3A_56 : i32 to vector<16xi32>
      %and3A_58 = arith.andi %get3A_52, %and3A_57 : vector<16xi32>
      tpu.vector_store_idx %arg13[%shift_right_arithmetic3A_55, %and3A_58], %broadcast_in_dim3A_5 {add = true} : memref<40x128xf32, #tpu.memory_space<vmem>>[vector<16xi32>, vector<16xi32>], vector<16xf32>,
      %get3A_59 = arith.index_cast %add3A_32 : i32 to index
      %get3A_60 = arith.constant 32 : index
      %get3A_61 = tpu.vector_load %arg10[%get3A_59, %get3A_60] {strides = array<i32>} : memref<158x128xi32, #tpu.memory_space<vmem>>, vector<16xi32>,
      %shift_right_arithmetic3A_62 = arith.constant 7 : i32
      %shift_right_arithmetic3A_63 = vector.broadcast %shift_right_arithmetic3A_62 : i32 to vector<16xi32>
      %shift_right_arithmetic3A_64 = arith.shrsi %get3A_61, %shift_right_arithmetic3A_63 : vector<16xi32>
      %and3A_65 = arith.constant 127 : i32
      %and3A_66 = vector.broadcast %and3A_65 : i32 to vector<16xi32>
      %and3A_67 = arith.andi %get3A_61, %and3A_66 : vector<16xi32>
      tpu.vector_store_idx %arg13[%shift_right_arithmetic3A_64, %and3A_67], %broadcast_in_dim3A_5 {add = true} : memref<40x128xf32, #tpu.memory_space<vmem>>[vector<16xi32>, vector<16xi32>], vector<16xf32>,
      %get3A_68 = arith.index_cast %add3A_32 : i32 to index
      %get3A_69 = arith.constant 48 : index
      %get3A_70 = tpu.vector_load %arg10[%get3A_68, %get3A_69] {strides = array<i32>} : memref<158x128xi32, #tpu.memory_space<vmem>>, vector<16xi32>,
      %shift_right_arithmetic3A_71 = arith.constant 7 : i32
      %shift_right_arithmetic3A_72 = vector.broadcast %shift_right_arithmetic3A_71 : i32 to vector<16xi32>
      %shift_right_arithmetic3A_73 = arith.shrsi %get3A_70, %shift_right_arithmetic3A_72 : vector<16xi32>
      %and3A_74 = arith.constant 127 : i32
      %and3A_75 = vector.broadcast %and3A_74 : i32 to vector<16xi32>
      %and3A_76 = arith.andi %get3A_70, %and3A_75 : vector<16xi32>
      tpu.vector_store_idx %arg13[%shift_right_arithmetic3A_73, %and3A_76], %broadcast_in_dim3A_5 {add = true} : memref<40x128xf32, #tpu.memory_space<vmem>>[vector<16xi32>, vector<16xi32>], vector<16xf32>,
      %get3A_77 = arith.index_cast %add3A_32 : i32 to index
      %get3A_78 = arith.constant 64 : index
      %get3A_79 = tpu.vector_load %arg10[%get3A_77, %get3A_78] {strides = array<i32>} : memref<158x128xi32, #tpu.memory_space<vmem>>, vector<16xi32>,
      %shift_right_arithmetic3A_80 = arith.constant 7 : i32
      %shift_right_arithmetic3A_81 = vector.broadcast %shift_right_arithmetic3A_80 : i32 to vector<16xi32>
      %shift_right_arithmetic3A_82 = arith.shrsi %get3A_79, %shift_right_arithmetic3A_81 : vector<16xi32>
      %and3A_83 = arith.constant 127 : i32
      %and3A_84 = vector.broadcast %and3A_83 : i32 to vector<16xi32>
      %and3A_85 = arith.andi %get3A_79, %and3A_84 : vector<16xi32>
      tpu.vector_store_idx %arg13[%shift_right_arithmetic3A_82, %and3A_85], %broadcast_in_dim3A_5 {add = true} : memref<40x128xf32, #tpu.memory_space<vmem>>[vector<16xi32>, vector<16xi32>], vector<16xf32>,
      %get3A_86 = arith.index_cast %add3A_32 : i32 to index
      %get3A_87 = arith.constant 80 : index
      %get3A_88 = tpu.vector_load %arg10[%get3A_86, %get3A_87] {strides = array<i32>} : memref<158x128xi32, #tpu.memory_space<vmem>>, vector<16xi32>,
      %shift_right_arithmetic3A_89 = arith.constant 7 : i32
      %shift_right_arithmetic3A_90 = vector.broadcast %shift_right_arithmetic3A_89 : i32 to vector<16xi32>
      %shift_right_arithmetic3A_91 = arith.shrsi %get3A_88, %shift_right_arithmetic3A_90 : vector<16xi32>
      %and3A_92 = arith.constant 127 : i32
      %and3A_93 = vector.broadcast %and3A_92 : i32 to vector<16xi32>
      %and3A_94 = arith.andi %get3A_88, %and3A_93 : vector<16xi32>
      tpu.vector_store_idx %arg13[%shift_right_arithmetic3A_91, %and3A_94], %broadcast_in_dim3A_5 {add = true} : memref<40x128xf32, #tpu.memory_space<vmem>>[vector<16xi32>, vector<16xi32>], vector<16xf32>,
      %get3A_95 = arith.index_cast %add3A_32 : i32 to index
      %get3A_96 = arith.constant 96 : index
      %get3A_97 = tpu.vector_load %arg10[%get3A_95, %get3A_96] {strides = array<i32>} : memref<158x128xi32, #tpu.memory_space<vmem>>, vector<16xi32>,
      %shift_right_arithmetic3A_98 = arith.constant 7 : i32
      %shift_right_arithmetic3A_99 = vector.broadcast %shift_right_arithmetic3A_98 : i32 to vector<16xi32>
      %shift_right_arithmetic3A_100 = arith.shrsi %get3A_97, %shift_right_arithmetic3A_99 : vector<16xi32>
      %and3A_101 = arith.constant 127 : i32
      %and3A_102 = vector.broadcast %and3A_101 : i32 to vector<16xi32>
      %and3A_103 = arith.andi %get3A_97, %and3A_102 : vector<16xi32>
      tpu.vector_store_idx %arg13[%shift_right_arithmetic3A_100, %and3A_103], %broadcast_in_dim3A_5 {add = true} : memref<40x128xf32, #tpu.memory_space<vmem>>[vector<16xi32>, vector<16xi32>], vector<16xf32>,
      %get3A_104 = arith.index_cast %add3A_32 : i32 to index
      %get3A_105 = arith.constant 112 : index
      %get3A_106 = tpu.vector_load %arg10[%get3A_104, %get3A_105] {strides = array<i32>} : memref<158x128xi32, #tpu.memory_space<vmem>>, vector<16xi32>,
      %shift_right_arithmetic3A_107 = arith.constant 7 : i32
      %shift_right_arithmetic3A_108 = vector.broadcast %shift_right_arithmetic3A_107 : i32 to vector<16xi32>
      %shift_right_arithmetic3A_109 = arith.shrsi %get3A_106, %shift_right_arithmetic3A_108 : vector<16xi32>
      %and3A_110 = arith.constant 127 : i32
      %and3A_111 = vector.broadcast %and3A_110 : i32 to vector<16xi32>
      %and3A_112 = arith.andi %get3A_106, %and3A_111 : vector<16xi32>
      tpu.vector_store_idx %arg13[%shift_right_arithmetic3A_109, %and3A_112], %broadcast_in_dim3A_5 {add = true} : memref<40x128xf32, #tpu.memory_space<vmem>>[vector<16xi32>, vector<16xi32>], vector<16xf32>,
      "tpu.region"() ({
        %run_scoped3A = tpu.sem_alloc : memref<!tpu.dma_semaphore, #tpu.memory_space<semaphore_mem>>
        %dma_start3A_200 = arith.constant 0 : i32
        %dma_start3A_201 = tpu.memref_slice %arg10[%add3A_32, %dma_start3A_200] : memref<158x128xi32, #tpu.memory_space<vmem>> -> memref<1x128xi32, #tpu.memory_space<vmem>>
        %dma_start3A_202 = tpu.memref_squeeze %dma_start3A_201 : memref<1x128xi32, #tpu.memory_space<vmem>> -> memref<128xi32, #tpu.memory_space<vmem>>
        %dma_start3A_203 = arith.constant 0 : i32
        %dma_start3A_204 = arith.constant 0 : i32
        %dma_start3A_205 = tpu.memref_slice %arg17[%dma_start3A_203, %dma_start3A_204] : memref<5120x128xf32, #tpu.memory_space<vmem_shared>> -> memref<5120x128xf32, #tpu.memory_space<vmem_shared>>
        tpu.enqueue_indirect_dma source(%arg11 : memref<128x128xf32, #tpu.memory_space<vmem>>) target(%dma_start3A_205 : memref<5120x128xf32, #tpu.memory_space<vmem_shared>>) offsets(%dma_start3A_202 : memref<128xi32, #tpu.memory_space<vmem>>) semaphore(%run_scoped3A : memref<!tpu.dma_semaphore, #tpu.memory_space<semaphore_mem>>) {add = true}
        %dma_wait3A_206 = arith.constant 0 : i32
        %dma_wait3A_207 = tpu.memref_slice %arg10[%add3A_32, %dma_wait3A_206] : memref<158x128xi32, #tpu.memory_space<vmem>> -> memref<1x128xi32, #tpu.memory_space<vmem>>
        %dma_wait3A_208 = tpu.memref_squeeze %dma_wait3A_207 : memref<1x128xi32, #tpu.memory_space<vmem>> -> memref<128xi32, #tpu.memory_space<vmem>>
        %dma_wait3A_209 = arith.constant 0 : i32
        %dma_wait3A_210 = arith.constant 0 : i32
        %dma_wait3A_211 = tpu.memref_slice %arg17[%dma_wait3A_209, %dma_wait3A_210] : memref<5120x128xf32, #tpu.memory_space<vmem_shared>> -> memref<5120x128xf32, #tpu.memory_space<vmem_shared>>
        tpu.wait_indirect_dma semaphore(%run_scoped3A : memref<!tpu.dma_semaphore, #tpu.memory_space<semaphore_mem>>) src(%arg11 : memref<128x128xf32, #tpu.memory_space<vmem>>) dst(%dma_wait3A_211 : memref<5120x128xf32, #tpu.memory_space<vmem_shared>>)
        tpu.yield
      }) : () -> ()
      %add3A_113 = arith.constant 1 : i32
      %add3A_114 = arith.addi %add3A_30, %add3A_113 : i32
      %dma_wait3A_115 = arith.constant 0 : i32
      %dma_wait3A_116 = tpu.memref_slice %arg9[%add3A_114, %dma_wait3A_115] : memref<158x128xi32, #tpu.memory_space<vmem>> -> memref<1x128xi32, #tpu.memory_space<vmem>>
      %dma_wait3A_117 = tpu.memref_squeeze %dma_wait3A_116 : memref<1x128xi32, #tpu.memory_space<vmem>> -> memref<128xi32, #tpu.memory_space<vmem>>
      %dma_wait3A_118 = arith.constant 0 : i32
      %dma_wait3A_119 = arith.constant 0 : i32
      %dma_wait3A_120 = tpu.memref_slice %arg2[%dma_wait3A_118, %dma_wait3A_119] : memref<10000x128xf32, #tpu.memory_space<hbm>> -> memref<10000x128xf32, #tpu.memory_space<hbm>>
      tpu.wait_indirect_dma semaphore(%arg16 : memref<!tpu.dma_semaphore, #tpu.memory_space<semaphore_mem>>) src(%dma_wait3A_120 : memref<10000x128xf32, #tpu.memory_space<hbm>>) dst(%arg12 : memref<128x128xf32, #tpu.memory_space<vmem>>)
      %add3A_121 = arith.constant 1 : i32
      %add3A_122 = arith.addi %add3A_114, %add3A_121 : i32
      %lt3A_123 = arith.constant 158 : i32
      %lt3A_124 = arith.cmpi slt, %add3A_122, %lt3A_123 : i32
      %convert_element_type3A_125 = arith.extui %lt3A_124 : i1 to i32
      %cond3A_126 = arith.constant 0 : i32
      %cond3A_127 = arith.cmpi ne, %convert_element_type3A_125, %cond3A_126 : i32
      scf.if %cond3A_127 {
        %add3A_200 = arith.constant 1 : i32
        %add3A_201 = arith.addi %add3A_114, %add3A_200 : i32
        %dma_start3A_202 = arith.constant 0 : i32
        %dma_start3A_203 = tpu.memref_slice %arg9[%add3A_201, %dma_start3A_202] : memref<158x128xi32, #tpu.memory_space<vmem>> -> memref<1x128xi32, #tpu.memory_space<vmem>>
        %dma_start3A_204 = tpu.memref_squeeze %dma_start3A_203 : memref<1x128xi32, #tpu.memory_space<vmem>> -> memref<128xi32, #tpu.memory_space<vmem>>
        %dma_start3A_205 = arith.constant 0 : i32
        %dma_start3A_206 = arith.constant 0 : i32
        %dma_start3A_207 = tpu.memref_slice %arg2[%dma_start3A_205, %dma_start3A_206] : memref<10000x128xf32, #tpu.memory_space<hbm>> -> memref<10000x128xf32, #tpu.memory_space<hbm>>
        tpu.enqueue_indirect_dma source(%dma_start3A_207 : memref<10000x128xf32, #tpu.memory_space<hbm>>) target(%arg11 : memref<128x128xf32, #tpu.memory_space<vmem>>) offsets(%dma_start3A_204 : memref<128xi32, #tpu.memory_space<vmem>>) semaphore(%arg15 : memref<!tpu.dma_semaphore, #tpu.memory_space<semaphore_mem>>)
      } else {
      }
      %get3A_128 = arith.index_cast %add3A_114 : i32 to index
      %get3A_129 = arith.constant 0 : index
      %get3A_130 = tpu.vector_load %arg10[%get3A_128, %get3A_129] {strides = array<i32>} : memref<158x128xi32, #tpu.memory_space<vmem>>, vector<16xi32>,
      %shift_right_arithmetic3A_131 = arith.constant 7 : i32
      %shift_right_arithmetic3A_132 = vector.broadcast %shift_right_arithmetic3A_131 : i32 to vector<16xi32>
      %shift_right_arithmetic3A_133 = arith.shrsi %get3A_130, %shift_right_arithmetic3A_132 : vector<16xi32>
      %and3A_134 = arith.constant 127 : i32
      %and3A_135 = vector.broadcast %and3A_134 : i32 to vector<16xi32>
      %and3A_136 = arith.andi %get3A_130, %and3A_135 : vector<16xi32>
      tpu.vector_store_idx %arg13[%shift_right_arithmetic3A_133, %and3A_136], %broadcast_in_dim3A_5 {add = true} : memref<40x128xf32, #tpu.memory_space<vmem>>[vector<16xi32>, vector<16xi32>], vector<16xf32>,
      %get3A_137 = arith.index_cast %add3A_114 : i32 to index
      %get3A_138 = arith.constant 16 : index
      %get3A_139 = tpu.vector_load %arg10[%get3A_137, %get3A_138] {strides = array<i32>} : memref<158x128xi32, #tpu.memory_space<vmem>>, vector<16xi32>,
      %shift_right_arithmetic3A_140 = arith.constant 7 : i32
      %shift_right_arithmetic3A_141 = vector.broadcast %shift_right_arithmetic3A_140 : i32 to vector<16xi32>
      %shift_right_arithmetic3A_142 = arith.shrsi %get3A_139, %shift_right_arithmetic3A_141 : vector<16xi32>
      %and3A_143 = arith.constant 127 : i32
      %and3A_144 = vector.broadcast %and3A_143 : i32 to vector<16xi32>
      %and3A_145 = arith.andi %get3A_139, %and3A_144 : vector<16xi32>
      tpu.vector_store_idx %arg13[%shift_right_arithmetic3A_142, %and3A_145], %broadcast_in_dim3A_5 {add = true} : memref<40x128xf32, #tpu.memory_space<vmem>>[vector<16xi32>, vector<16xi32>], vector<16xf32>,
      %get3A_146 = arith.index_cast %add3A_114 : i32 to index
      %get3A_147 = arith.constant 32 : index
      %get3A_148 = tpu.vector_load %arg10[%get3A_146, %get3A_147] {strides = array<i32>} : memref<158x128xi32, #tpu.memory_space<vmem>>, vector<16xi32>,
      %shift_right_arithmetic3A_149 = arith.constant 7 : i32
      %shift_right_arithmetic3A_150 = vector.broadcast %shift_right_arithmetic3A_149 : i32 to vector<16xi32>
      %shift_right_arithmetic3A_151 = arith.shrsi %get3A_148, %shift_right_arithmetic3A_150 : vector<16xi32>
      %and3A_152 = arith.constant 127 : i32
      %and3A_153 = vector.broadcast %and3A_152 : i32 to vector<16xi32>
      %and3A_154 = arith.andi %get3A_148, %and3A_153 : vector<16xi32>
      tpu.vector_store_idx %arg13[%shift_right_arithmetic3A_151, %and3A_154], %broadcast_in_dim3A_5 {add = true} : memref<40x128xf32, #tpu.memory_space<vmem>>[vector<16xi32>, vector<16xi32>], vector<16xf32>,
      %get3A_155 = arith.index_cast %add3A_114 : i32 to index
      %get3A_156 = arith.constant 48 : index
      %get3A_157 = tpu.vector_load %arg10[%get3A_155, %get3A_156] {strides = array<i32>} : memref<158x128xi32, #tpu.memory_space<vmem>>, vector<16xi32>,
      %shift_right_arithmetic3A_158 = arith.constant 7 : i32
      %shift_right_arithmetic3A_159 = vector.broadcast %shift_right_arithmetic3A_158 : i32 to vector<16xi32>
      %shift_right_arithmetic3A_160 = arith.shrsi %get3A_157, %shift_right_arithmetic3A_159 : vector<16xi32>
      %and3A_161 = arith.constant 127 : i32
      %and3A_162 = vector.broadcast %and3A_161 : i32 to vector<16xi32>
      %and3A_163 = arith.andi %get3A_157, %and3A_162 : vector<16xi32>
      tpu.vector_store_idx %arg13[%shift_right_arithmetic3A_160, %and3A_163], %broadcast_in_dim3A_5 {add = true} : memref<40x128xf32, #tpu.memory_space<vmem>>[vector<16xi32>, vector<16xi32>], vector<16xf32>,
      %get3A_164 = arith.index_cast %add3A_114 : i32 to index
      %get3A_165 = arith.constant 64 : index
      %get3A_166 = tpu.vector_load %arg10[%get3A_164, %get3A_165] {strides = array<i32>} : memref<158x128xi32, #tpu.memory_space<vmem>>, vector<16xi32>,
      %shift_right_arithmetic3A_167 = arith.constant 7 : i32
      %shift_right_arithmetic3A_168 = vector.broadcast %shift_right_arithmetic3A_167 : i32 to vector<16xi32>
      %shift_right_arithmetic3A_169 = arith.shrsi %get3A_166, %shift_right_arithmetic3A_168 : vector<16xi32>
      %and3A_170 = arith.constant 127 : i32
      %and3A_171 = vector.broadcast %and3A_170 : i32 to vector<16xi32>
      %and3A_172 = arith.andi %get3A_166, %and3A_171 : vector<16xi32>
      tpu.vector_store_idx %arg13[%shift_right_arithmetic3A_169, %and3A_172], %broadcast_in_dim3A_5 {add = true} : memref<40x128xf32, #tpu.memory_space<vmem>>[vector<16xi32>, vector<16xi32>], vector<16xf32>,
      %get3A_173 = arith.index_cast %add3A_114 : i32 to index
      %get3A_174 = arith.constant 80 : index
      %get3A_175 = tpu.vector_load %arg10[%get3A_173, %get3A_174] {strides = array<i32>} : memref<158x128xi32, #tpu.memory_space<vmem>>, vector<16xi32>,
      %shift_right_arithmetic3A_176 = arith.constant 7 : i32
      %shift_right_arithmetic3A_177 = vector.broadcast %shift_right_arithmetic3A_176 : i32 to vector<16xi32>
      %shift_right_arithmetic3A_178 = arith.shrsi %get3A_175, %shift_right_arithmetic3A_177 : vector<16xi32>
      %and3A_179 = arith.constant 127 : i32
      %and3A_180 = vector.broadcast %and3A_179 : i32 to vector<16xi32>
      %and3A_181 = arith.andi %get3A_175, %and3A_180 : vector<16xi32>
      tpu.vector_store_idx %arg13[%shift_right_arithmetic3A_178, %and3A_181], %broadcast_in_dim3A_5 {add = true} : memref<40x128xf32, #tpu.memory_space<vmem>>[vector<16xi32>, vector<16xi32>], vector<16xf32>,
      %get3A_182 = arith.index_cast %add3A_114 : i32 to index
      %get3A_183 = arith.constant 96 : index
      %get3A_184 = tpu.vector_load %arg10[%get3A_182, %get3A_183] {strides = array<i32>} : memref<158x128xi32, #tpu.memory_space<vmem>>, vector<16xi32>,
      %shift_right_arithmetic3A_185 = arith.constant 7 : i32
      %shift_right_arithmetic3A_186 = vector.broadcast %shift_right_arithmetic3A_185 : i32 to vector<16xi32>
      %shift_right_arithmetic3A_187 = arith.shrsi %get3A_184, %shift_right_arithmetic3A_186 : vector<16xi32>
      %and3A_188 = arith.constant 127 : i32
      %and3A_189 = vector.broadcast %and3A_188 : i32 to vector<16xi32>
      %and3A_190 = arith.andi %get3A_184, %and3A_189 : vector<16xi32>
      tpu.vector_store_idx %arg13[%shift_right_arithmetic3A_187, %and3A_190], %broadcast_in_dim3A_5 {add = true} : memref<40x128xf32, #tpu.memory_space<vmem>>[vector<16xi32>, vector<16xi32>], vector<16xf32>,
      %get3A_191 = arith.index_cast %add3A_114 : i32 to index
      %get3A_192 = arith.constant 112 : index
      %get3A_193 = tpu.vector_load %arg10[%get3A_191, %get3A_192] {strides = array<i32>} : memref<158x128xi32, #tpu.memory_space<vmem>>, vector<16xi32>,
      %shift_right_arithmetic3A_194 = arith.constant 7 : i32
      %shift_right_arithmetic3A_195 = vector.broadcast %shift_right_arithmetic3A_194 : i32 to vector<16xi32>
      %shift_right_arithmetic3A_196 = arith.shrsi %get3A_193, %shift_right_arithmetic3A_195 : vector<16xi32>
      %and3A_197 = arith.constant 127 : i32
      %and3A_198 = vector.broadcast %and3A_197 : i32 to vector<16xi32>
      %and3A_199 = arith.andi %get3A_193, %and3A_198 : vector<16xi32>
      tpu.vector_store_idx %arg13[%shift_right_arithmetic3A_196, %and3A_199], %broadcast_in_dim3A_5 {add = true} : memref<40x128xf32, #tpu.memory_space<vmem>>[vector<16xi32>, vector<16xi32>], vector<16xf32>,
      "tpu.region"() ({
        %run_scoped3A = tpu.sem_alloc : memref<!tpu.dma_semaphore, #tpu.memory_space<semaphore_mem>>
        %dma_start3A_200 = arith.constant 0 : i32
        %dma_start3A_201 = tpu.memref_slice %arg10[%add3A_114, %dma_start3A_200] : memref<158x128xi32, #tpu.memory_space<vmem>> -> memref<1x128xi32, #tpu.memory_space<vmem>>
        %dma_start3A_202 = tpu.memref_squeeze %dma_start3A_201 : memref<1x128xi32, #tpu.memory_space<vmem>> -> memref<128xi32, #tpu.memory_space<vmem>>
        %dma_start3A_203 = arith.constant 0 : i32
        %dma_start3A_204 = arith.constant 0 : i32
        %dma_start3A_205 = tpu.memref_slice %arg17[%dma_start3A_203, %dma_start3A_204] : memref<5120x128xf32, #tpu.memory_space<vmem_shared>> -> memref<5120x128xf32, #tpu.memory_space<vmem_shared>>
        tpu.enqueue_indirect_dma source(%arg12 : memref<128x128xf32, #tpu.memory_space<vmem>>) target(%dma_start3A_205 : memref<5120x128xf32, #tpu.memory_space<vmem_shared>>) offsets(%dma_start3A_202 : memref<128xi32, #tpu.memory_space<vmem>>) semaphore(%run_scoped3A : memref<!tpu.dma_semaphore, #tpu.memory_space<semaphore_mem>>) {add = true}
        %dma_wait3A_206 = arith.constant 0 : i32
        %dma_wait3A_207 = tpu.memref_slice %arg10[%add3A_114, %dma_wait3A_206] : memref<158x128xi32, #tpu.memory_space<vmem>> -> memref<1x128xi32, #tpu.memory_space<vmem>>
        %dma_wait3A_208 = tpu.memref_squeeze %dma_wait3A_207 : memref<1x128xi32, #tpu.memory_space<vmem>> -> memref<128xi32, #tpu.memory_space<vmem>>
        %dma_wait3A_209 = arith.constant 0 : i32
        %dma_wait3A_210 = arith.constant 0 : i32
        %dma_wait3A_211 = tpu.memref_slice %arg17[%dma_wait3A_209, %dma_wait3A_210] : memref<5120x128xf32, #tpu.memory_space<vmem_shared>> -> memref<5120x128xf32, #tpu.memory_space<vmem_shared>>
        tpu.wait_indirect_dma semaphore(%run_scoped3A : memref<!tpu.dma_semaphore, #tpu.memory_space<semaphore_mem>>) src(%arg12 : memref<128x128xf32, #tpu.memory_space<vmem>>) dst(%dma_wait3A_211 : memref<5120x128xf32, #tpu.memory_space<vmem_shared>>)
        tpu.yield
      }) : () -> ()
    }
    %scan3A_15 = arith.constant 79 : i32
    %barrier3A_16 = arith.constant 0 : index
    tpu.barrier barrier_id(%barrier3A_16)
    "tpu.region"() ({
      %run_scoped3A = tpu.sem_alloc : memref<!tpu.dma_semaphore, #tpu.memory_space<semaphore_mem>>
      %dma_start3A_27 = arith.constant 0 : i32
      %dma_start3A_28 = arith.constant 0 : i32
      %dma_start3A_29 = tpu.memref_slice %arg18[%dma_start3A_27, %dma_start3A_28] : memref<40x128xf32, #tpu.memory_space<vmem_shared>> -> memref<40x128xf32, #tpu.memory_space<vmem_shared>>
      tpu.enqueue_indirect_dma source(%arg13 : memref<40x128xf32, #tpu.memory_space<vmem>>) target(%dma_start3A_29 : memref<40x128xf32, #tpu.memory_space<vmem_shared>>) offsets(%arg14 : memref<40xi32, #tpu.memory_space<vmem>>) semaphore(%run_scoped3A : memref<!tpu.dma_semaphore, #tpu.memory_space<semaphore_mem>>) {add = true}
      %dma_wait3A = arith.constant 0 : i32
      %dma_wait3A_30 = arith.constant 0 : i32
      %dma_wait3A_31 = tpu.memref_slice %arg18[%dma_wait3A, %dma_wait3A_30] : memref<40x128xf32, #tpu.memory_space<vmem_shared>> -> memref<40x128xf32, #tpu.memory_space<vmem_shared>>
      tpu.wait_indirect_dma semaphore(%run_scoped3A : memref<!tpu.dma_semaphore, #tpu.memory_space<semaphore_mem>>) src(%arg13 : memref<40x128xf32, #tpu.memory_space<vmem>>) dst(%dma_wait3A_31 : memref<40x128xf32, #tpu.memory_space<vmem_shared>>)
      tpu.yield
    }) : () -> ()
    %barrier3A_17 = arith.constant 0 : index
    tpu.barrier barrier_id(%barrier3A_17)
    %mul3A_18 = arith.constant 312 : i32
    %mul3A_19 = arith.muli %arg1, %mul3A_18 : i32
    %mul3A_20 = arith.constant 312 : i32
    %mul3A_21 = arith.muli %arg1, %mul3A_20 : i32
    "tpu.region"() ({
      %run_scoped3A = tpu.sem_alloc : memref<!tpu.dma_semaphore, #tpu.memory_space<semaphore_mem>>
      %dma_start3A_27 = arith.constant 0 : i32
      %dma_start3A_28 = tpu.memref_slice %arg7[%arg0, %mul3A_21, %dma_start3A_27] : memref<2x5000x128xf32, #tpu.memory_space<hbm>> -> memref<1x312x128xf32, #tpu.memory_space<hbm>>
      %dma_start3A_29 = tpu.memref_squeeze %dma_start3A_28 : memref<1x312x128xf32, #tpu.memory_space<hbm>> -> memref<312x128xf32, #tpu.memory_space<hbm>>
      %dma_start3A_30 = arith.constant 0 : i32
      %dma_start3A_31 = tpu.memref_slice %arg17[%mul3A_19, %dma_start3A_30] : memref<5120x128xf32, #tpu.memory_space<vmem_shared>> -> memref<312x128xf32, #tpu.memory_space<vmem_shared>>
      tpu.enqueue_dma source(%dma_start3A_31 : memref<312x128xf32, #tpu.memory_space<vmem_shared>>) target(%dma_start3A_29 : memref<312x128xf32, #tpu.memory_space<hbm>>) target_semaphore(%run_scoped3A : memref<!tpu.dma_semaphore, #tpu.memory_space<semaphore_mem>>)
      %dma_wait3A = arith.constant 0 : i32
      %dma_wait3A_32 = tpu.memref_slice %arg7[%arg0, %mul3A_21, %dma_wait3A] : memref<2x5000x128xf32, #tpu.memory_space<hbm>> -> memref<1x312x128xf32, #tpu.memory_space<hbm>>
      %dma_wait3A_33 = tpu.memref_squeeze %dma_wait3A_32 : memref<1x312x128xf32, #tpu.memory_space<hbm>> -> memref<312x128xf32, #tpu.memory_space<hbm>>
      %dma_wait3A_34 = arith.constant 0 : i32
      %dma_wait3A_35 = tpu.memref_slice %arg17[%mul3A_19, %dma_wait3A_34] : memref<5120x128xf32, #tpu.memory_space<vmem_shared>> -> memref<312x128xf32, #tpu.memory_space<vmem_shared>>
      tpu.wait_dma2 semaphore(%run_scoped3A : memref<!tpu.dma_semaphore, #tpu.memory_space<semaphore_mem>>) src(%dma_wait3A_35 : memref<312x128xf32, #tpu.memory_space<vmem_shared>>) dst(%dma_wait3A_33 : memref<312x128xf32, #tpu.memory_space<hbm>>)
      tpu.yield
    }) : () -> ()
    %eq3A_22 = arith.constant 0 : i32
    %eq3A_23 = arith.cmpi eq, %arg1, %eq3A_22 : i32
    %convert_element_type3A_24 = arith.extui %eq3A_23 : i1 to i32
    %cond3A_25 = arith.constant 0 : i32
    %cond3A_26 = arith.cmpi ne, %convert_element_type3A_24, %cond3A_25 : i32
    scf.if %cond3A_26 {
      "tpu.region"() ({
        %run_scoped3A = tpu.sem_alloc : memref<!tpu.dma_semaphore, #tpu.memory_space<semaphore_mem>>
        %dma_start3A_27 = arith.constant 4992 : i32
        %dma_start3A_28 = arith.constant 0 : i32
        %dma_start3A_29 = tpu.memref_slice %arg7[%arg0, %dma_start3A_27, %dma_start3A_28] : memref<2x5000x128xf32, #tpu.memory_space<hbm>> -> memref<1x8x128xf32, #tpu.memory_space<hbm>>
        %dma_start3A_30 = tpu.memref_squeeze %dma_start3A_29 : memref<1x8x128xf32, #tpu.memory_space<hbm>> -> memref<8x128xf32, #tpu.memory_space<hbm>>
        %dma_start3A_31 = arith.constant 4992 : i32
        %dma_start3A_32 = arith.constant 0 : i32
        %dma_start3A_33 = tpu.memref_slice %arg17[%dma_start3A_31, %dma_start3A_32] : memref<5120x128xf32, #tpu.memory_space<vmem_shared>> -> memref<8x128xf32, #tpu.memory_space<vmem_shared>>
        tpu.enqueue_dma source(%dma_start3A_33 : memref<8x128xf32, #tpu.memory_space<vmem_shared>>) target(%dma_start3A_30 : memref<8x128xf32, #tpu.memory_space<hbm>>) target_semaphore(%run_scoped3A : memref<!tpu.dma_semaphore, #tpu.memory_space<semaphore_mem>>)
        %dma_wait3A = arith.constant 4992 : i32
        %dma_wait3A_34 = arith.constant 0 : i32
        %dma_wait3A_35 = tpu.memref_slice %arg7[%arg0, %dma_wait3A, %dma_wait3A_34] : memref<2x5000x128xf32, #tpu.memory_space<hbm>> -> memref<1x8x128xf32, #tpu.memory_space<hbm>>
        %dma_wait3A_36 = tpu.memref_squeeze %dma_wait3A_35 : memref<1x8x128xf32, #tpu.memory_space<hbm>> -> memref<8x128xf32, #tpu.memory_space<hbm>>
        %dma_wait3A_37 = arith.constant 4992 : i32
        %dma_wait3A_38 = arith.constant 0 : i32
        %dma_wait3A_39 = tpu.memref_slice %arg17[%dma_wait3A_37, %dma_wait3A_38] : memref<5120x128xf32, #tpu.memory_space<vmem_shared>> -> memref<8x128xf32, #tpu.memory_space<vmem_shared>>
        tpu.wait_dma2 semaphore(%run_scoped3A : memref<!tpu.dma_semaphore, #tpu.memory_space<semaphore_mem>>) src(%dma_wait3A_39 : memref<8x128xf32, #tpu.memory_space<vmem_shared>>) dst(%dma_wait3A_36 : memref<8x128xf32, #tpu.memory_space<hbm>>)
        tpu.yield
      }) : () -> ()
      "tpu.region"() ({
        %run_scoped3A = tpu.sem_alloc : memref<!tpu.dma_semaphore, #tpu.memory_space<semaphore_mem>>
        %dma_start3A_27 = arith.constant 0 : i32
        %dma_start3A_28 = arith.constant 0 : i32
        %dma_start3A_29 = tpu.memref_slice %arg8[%arg0, %dma_start3A_27, %dma_start3A_28] : memref<2x40x128xf32, #tpu.memory_space<hbm>> -> memref<1x40x128xf32, #tpu.memory_space<hbm>>
        %dma_start3A_30 = tpu.memref_squeeze %dma_start3A_29 : memref<1x40x128xf32, #tpu.memory_space<hbm>> -> memref<40x128xf32, #tpu.memory_space<hbm>>
        tpu.enqueue_dma source(%arg18 : memref<40x128xf32, #tpu.memory_space<vmem_shared>>) target(%dma_start3A_30 : memref<40x128xf32, #tpu.memory_space<hbm>>) target_semaphore(%run_scoped3A : memref<!tpu.dma_semaphore, #tpu.memory_space<semaphore_mem>>)
        %dma_wait3A = arith.constant 0 : i32
        %dma_wait3A_31 = arith.constant 0 : i32
        %dma_wait3A_32 = tpu.memref_slice %arg8[%arg0, %dma_wait3A, %dma_wait3A_31] : memref<2x40x128xf32, #tpu.memory_space<hbm>> -> memref<1x40x128xf32, #tpu.memory_space<hbm>>
        %dma_wait3A_33 = tpu.memref_squeeze %dma_wait3A_32 : memref<1x40x128xf32, #tpu.memory_space<hbm>> -> memref<40x128xf32, #tpu.memory_space<hbm>>
        tpu.wait_dma2 semaphore(%run_scoped3A : memref<!tpu.dma_semaphore, #tpu.memory_space<semaphore_mem>>) src(%arg18 : memref<40x128xf32, #tpu.memory_space<vmem_shared>>) dst(%dma_wait3A_33 : memref<40x128xf32, #tpu.memory_space<hbm>>)
        tpu.yield
      }) : () -> ()
    } else {
    }
    return
  }
}

module attributes {stable_mosaic.version = 14 : i64} {
  func.func @_prep_body(%arg0: i32, %arg1: memref<400x128xf32, #tpu.memory_space<vmem>>, %arg2: memref<128x128xf32, #tpu.memory_space<vmem>>, %arg3: memref<128x128xf32, #tpu.memory_space<vmem>>, %arg4: memref<1x128xf32, #tpu.memory_space<vmem>>, %arg5: memref<400x128xf32, #tpu.memory_space<vmem>>, %arg6: memref<400x128xf32, #tpu.memory_space<vmem>>) attributes {dimension_semantics = [#tpu.dimension_semantics<arbitrary>], iteration_bounds = array<i64: 25>, scalar_prefetch = 0 : i64, scratch_operands = 0 : i64, tpu.core_type = #tpu.core_type<tc>, window_params = [{transform_indices = @transform_0, window_bounds = array<i64: 400, 128>}, {pipeline_mode = #tpu.pipeline_mode<synchronous>, transform_indices = @transform_1, window_bounds = array<i64: 128, 128>}, {pipeline_mode = #tpu.pipeline_mode<synchronous>, transform_indices = @transform_2, window_bounds = array<i64: 128, 128>}, {pipeline_mode = #tpu.pipeline_mode<synchronous>, transform_indices = @transform_3, window_bounds = array<i64: 1, 128>}, {transform_indices = @transform_4, window_bounds = array<i64: 400, 128>}, {transform_indices = @transform_5, window_bounds = array<i64: 400, 128>}]} {
    %get3A = arith.constant 0 : index
    %get3A_0 = arith.constant 0 : index
    %get3A_1 = vector.load %arg1[%get3A, %get3A_0] : memref<400x128xf32, #tpu.memory_space<vmem>>, vector<400x128xf32>
    %get3A_2 = arith.constant 0 : index
    %get3A_3 = arith.constant 0 : index
    %get3A_4 = vector.load %arg2[%get3A_2, %get3A_3] : memref<128x128xf32, #tpu.memory_space<vmem>>, vector<128x128xf32>
    %dot_general3A = arith.constant dense<0.000000e+00> : vector<400x128xf32>
    %dot_general3A_5 = tpu.matmul %get3A_1, %get3A_4, %dot_general3A {dimension_numbers = #tpu.dot_dimension_numbers<[1], [1], [0], [0], [0, 0, 1, 0], [], []>, transpose_lhs_hint = false} : vector<400x128xf32>, vector<128x128xf32>, vector<400x128xf32> -> vector<400x128xf32>
    %swap3A = arith.constant 0 : index
    %swap3A_6 = arith.constant 0 : index
    %swap3A_7 = vector.load %arg5[%swap3A, %swap3A_6] : memref<400x128xf32, #tpu.memory_space<vmem>>, vector<400x128xf32>
    tpu.vector_store %arg5[%swap3A, %swap3A_6], %dot_general3A_5 {strides = array<i32>} : memref<400x128xf32, #tpu.memory_space<vmem>>, vector<400x128xf32>,
    %get3A_8 = arith.constant 0 : index
    %get3A_9 = arith.constant 0 : index
    %get3A_10 = vector.load %arg3[%get3A_8, %get3A_9] : memref<128x128xf32, #tpu.memory_space<vmem>>, vector<128x128xf32>
    %dot_general3A_11 = arith.constant dense<0.000000e+00> : vector<400x128xf32>
    %dot_general3A_12 = tpu.matmul %get3A_1, %get3A_10, %dot_general3A_11 {dimension_numbers = #tpu.dot_dimension_numbers<[1], [1], [0], [0], [0, 0, 1, 0], [], []>, transpose_lhs_hint = false} : vector<400x128xf32>, vector<128x128xf32>, vector<400x128xf32> -> vector<400x128xf32>
    %get3A_13 = arith.constant 0 : index
    %get3A_14 = arith.constant 0 : index
    %get3A_15 = vector.load %arg4[%get3A_13, %get3A_14] : memref<1x128xf32, #tpu.memory_space<vmem>>, vector<1x128xf32>
    %add3A = vector.broadcast %get3A_15 : vector<1x128xf32> to vector<400x128xf32>
    %add3A_16 = arith.addf %dot_general3A_12, %add3A : vector<400x128xf32>
    %swap3A_17 = arith.constant 0 : index
    %swap3A_18 = arith.constant 0 : index
    %swap3A_19 = vector.load %arg6[%swap3A_17, %swap3A_18] : memref<400x128xf32, #tpu.memory_space<vmem>>, vector<400x128xf32>
    tpu.vector_store %arg6[%swap3A_17, %swap3A_18], %add3A_16 {strides = array<i32>} : memref<400x128xf32, #tpu.memory_space<vmem>>, vector<400x128xf32>,
    return
  }
  func.func @transform_0(%arg0: i32) -> (i32, i32) {
    %c0_i32 = arith.constant 0 : i32
    %c0_i32_0 = arith.constant 0 : i32
    return %arg0, %c0_i32 : i32, i32
  }
  func.func @transform_1(%arg0: i32) -> (i32, i32) {
    %c0_i32 = arith.constant 0 : i32
    %c0_i32_0 = arith.constant 0 : i32
    %c0_i32_1 = arith.constant 0 : i32
    return %c0_i32, %c0_i32_0 : i32, i32
  }
  func.func @transform_2(%arg0: i32) -> (i32, i32) {
    %c0_i32 = arith.constant 0 : i32
    %c0_i32_0 = arith.constant 0 : i32
    %c0_i32_1 = arith.constant 0 : i32
    return %c0_i32, %c0_i32_0 : i32, i32
  }
  func.func @transform_3(%arg0: i32) -> (i32, i32) {
    %c0_i32 = arith.constant 0 : i32
    %c0_i32_0 = arith.constant 0 : i32
    %c0_i32_1 = arith.constant 0 : i32
    return %c0_i32, %c0_i32_0 : i32, i32
  }
  func.func @transform_4(%arg0: i32) -> (i32, i32) {
    %c0_i32 = arith.constant 0 : i32
    %c0_i32_0 = arith.constant 0 : i32
    return %arg0, %c0_i32 : i32, i32
  }
  func.func @transform_5(%arg0: i32) -> (i32, i32) {
    %c0_i32 = arith.constant 0 : i32
    %c0_i32_0 = arith.constant 0 : i32
    return %arg0, %c0_i32 : i32, i32
  }
}

module attributes {stable_mosaic.version = 14 : i64} {
  func.func @_mid_body(%arg0: i32, %arg1: memref<400x128xf32, #tpu.memory_space<vmem>>, %arg2: memref<400x1xf32, #tpu.memory_space<vmem>>, %arg3: memref<400x128xf32, #tpu.memory_space<vmem>>, %arg4: memref<128x128xf32, #tpu.memory_space<vmem>>, %arg5: memref<128x128xf32, #tpu.memory_space<vmem>>, %arg6: memref<1x128xf32, #tpu.memory_space<vmem>>, %arg7: memref<400x128xf32, #tpu.memory_space<vmem>>, %arg8: memref<400x128xf32, #tpu.memory_space<vmem>>, %arg9: memref<400x128xf32, #tpu.memory_space<vmem>>) attributes {dimension_semantics = [#tpu.dimension_semantics<arbitrary>], iteration_bounds = array<i64: 25>, scalar_prefetch = 0 : i64, scratch_operands = 0 : i64, tpu.core_type = #tpu.core_type<tc>, window_params = [{transform_indices = @transform_0, window_bounds = array<i64: 400, 128>}, {transform_indices = @transform_1, window_bounds = array<i64: 400, 1>}, {transform_indices = @transform_2, window_bounds = array<i64: 400, 128>}, {pipeline_mode = #tpu.pipeline_mode<synchronous>, transform_indices = @transform_3, window_bounds = array<i64: 128, 128>}, {pipeline_mode = #tpu.pipeline_mode<synchronous>, transform_indices = @transform_4, window_bounds = array<i64: 128, 128>}, {pipeline_mode = #tpu.pipeline_mode<synchronous>, transform_indices = @transform_5, window_bounds = array<i64: 1, 128>}, {transform_indices = @transform_6, window_bounds = array<i64: 400, 128>}, {transform_indices = @transform_7, window_bounds = array<i64: 400, 128>}, {transform_indices = @transform_8, window_bounds = array<i64: 400, 128>}]} {
    %get3A = arith.constant 0 : index
    %get3A_0 = arith.constant 0 : index
    %get3A_1 = vector.load %arg2[%get3A, %get3A_0] : memref<400x1xf32, #tpu.memory_space<vmem>>, vector<400x1xf32>
    %max3A = arith.constant 1.000000e+00 : f32
    %max3A_2 = vector.broadcast %max3A : f32 to vector<400x1xf32>
    %max3A_3 = arith.maximumf %get3A_1, %max3A_2 : vector<400x1xf32>
    %get3A_4 = arith.constant 0 : index
    %get3A_5 = arith.constant 0 : index
    %get3A_6 = vector.load %arg1[%get3A_4, %get3A_5] : memref<400x128xf32, #tpu.memory_space<vmem>>, vector<400x128xf32>
    %div3A = vector.broadcast %max3A_3 : vector<400x1xf32> to vector<400x128xf32>
    %div3A_7 = arith.divf %get3A_6, %div3A : vector<400x128xf32>
    %get3A_8 = arith.constant 0 : index
    %get3A_9 = arith.constant 0 : index
    %get3A_10 = vector.load %arg3[%get3A_8, %get3A_9] : memref<400x128xf32, #tpu.memory_space<vmem>>, vector<400x128xf32>
    %add3A = arith.addf %div3A_7, %get3A_10 : vector<400x128xf32>
    %max3A_11 = arith.constant 0.000000e+00 : f32
    %max3A_12 = vector.broadcast %max3A_11 : f32 to vector<400x128xf32>
    %max3A_13 = arith.maximumf %add3A, %max3A_12 : vector<400x128xf32>
    %swap3A = arith.constant 0 : index
    %swap3A_14 = arith.constant 0 : index
    %swap3A_15 = vector.load %arg9[%swap3A, %swap3A_14] : memref<400x128xf32, #tpu.memory_space<vmem>>, vector<400x128xf32>
    tpu.vector_store %arg9[%swap3A, %swap3A_14], %max3A_13 {strides = array<i32>} : memref<400x128xf32, #tpu.memory_space<vmem>>, vector<400x128xf32>,
    %get3A_16 = arith.constant 0 : index
    %get3A_17 = arith.constant 0 : index
    %get3A_18 = vector.load %arg4[%get3A_16, %get3A_17] : memref<128x128xf32, #tpu.memory_space<vmem>>, vector<128x128xf32>
    %dot_general3A = arith.constant dense<0.000000e+00> : vector<400x128xf32>
    %dot_general3A_19 = tpu.matmul %max3A_13, %get3A_18, %dot_general3A {dimension_numbers = #tpu.dot_dimension_numbers<[1], [1], [0], [0], [0, 0, 1, 0], [], []>, transpose_lhs_hint = false} : vector<400x128xf32>, vector<128x128xf32>, vector<400x128xf32> -> vector<400x128xf32>
    %swap3A_20 = arith.constant 0 : index
    %swap3A_21 = arith.constant 0 : index
    %swap3A_22 = vector.load %arg7[%swap3A_20, %swap3A_21] : memref<400x128xf32, #tpu.memory_space<vmem>>, vector<400x128xf32>
    tpu.vector_store %arg7[%swap3A_20, %swap3A_21], %dot_general3A_19 {strides = array<i32>} : memref<400x128xf32, #tpu.memory_space<vmem>>, vector<400x128xf32>,
    %get3A_23 = arith.constant 0 : index
    %get3A_24 = arith.constant 0 : index
    %get3A_25 = vector.load %arg5[%get3A_23, %get3A_24] : memref<128x128xf32, #tpu.memory_space<vmem>>, vector<128x128xf32>
    %dot_general3A_26 = arith.constant dense<0.000000e+00> : vector<400x128xf32>
    %dot_general3A_27 = tpu.matmul %max3A_13, %get3A_25, %dot_general3A_26 {dimension_numbers = #tpu.dot_dimension_numbers<[1], [1], [0], [0], [0, 0, 1, 0], [], []>, transpose_lhs_hint = false} : vector<400x128xf32>, vector<128x128xf32>, vector<400x128xf32> -> vector<400x128xf32>
    %get3A_28 = arith.constant 0 : index
    %get3A_29 = arith.constant 0 : index
    %get3A_30 = vector.load %arg6[%get3A_28, %get3A_29] : memref<1x128xf32, #tpu.memory_space<vmem>>, vector<1x128xf32>
    %add3A_31 = vector.broadcast %get3A_30 : vector<1x128xf32> to vector<400x128xf32>
    %add3A_32 = arith.addf %dot_general3A_27, %add3A_31 : vector<400x128xf32>
    %swap3A_33 = arith.constant 0 : index
    %swap3A_34 = arith.constant 0 : index
    %swap3A_35 = vector.load %arg8[%swap3A_33, %swap3A_34] : memref<400x128xf32, #tpu.memory_space<vmem>>, vector<400x128xf32>
    tpu.vector_store %arg8[%swap3A_33, %swap3A_34], %add3A_32 {strides = array<i32>} : memref<400x128xf32, #tpu.memory_space<vmem>>, vector<400x128xf32>,
    return
  }
  func.func @transform_0(%arg0: i32) -> (i32, i32) {
    %c0_i32 = arith.constant 0 : i32
    %c0_i32_0 = arith.constant 0 : i32
    return %arg0, %c0_i32 : i32, i32
  }
  func.func @transform_1(%arg0: i32) -> (i32, i32) {
    %c0_i32 = arith.constant 0 : i32
    %c0_i32_0 = arith.constant 0 : i32
    return %arg0, %c0_i32 : i32, i32
  }
  func.func @transform_2(%arg0: i32) -> (i32, i32) {
    %c0_i32 = arith.constant 0 : i32
    %c0_i32_0 = arith.constant 0 : i32
    return %arg0, %c0_i32 : i32, i32
  }
  func.func @transform_3(%arg0: i32) -> (i32, i32) {
    %c0_i32 = arith.constant 0 : i32
    %c0_i32_0 = arith.constant 0 : i32
    %c0_i32_1 = arith.constant 0 : i32
    return %c0_i32, %c0_i32_0 : i32, i32
  }
  func.func @transform_4(%arg0: i32) -> (i32, i32) {
    %c0_i32 = arith.constant 0 : i32
    %c0_i32_0 = arith.constant 0 : i32
    %c0_i32_1 = arith.constant 0 : i32
    return %c0_i32, %c0_i32_0 : i32, i32
  }
  func.func @transform_5(%arg0: i32) -> (i32, i32) {
    %c0_i32 = arith.constant 0 : i32
    %c0_i32_0 = arith.constant 0 : i32
    %c0_i32_1 = arith.constant 0 : i32
    return %c0_i32, %c0_i32_0 : i32, i32
  }
  func.func @transform_6(%arg0: i32) -> (i32, i32) {
    %c0_i32 = arith.constant 0 : i32
    %c0_i32_0 = arith.constant 0 : i32
    return %arg0, %c0_i32 : i32, i32
  }
  func.func @transform_7(%arg0: i32) -> (i32, i32) {
    %c0_i32 = arith.constant 0 : i32
    %c0_i32_0 = arith.constant 0 : i32
    return %arg0, %c0_i32 : i32, i32
  }
  func.func @transform_8(%arg0: i32) -> (i32, i32) {
    %c0_i32 = arith.constant 0 : i32
    %c0_i32_0 = arith.constant 0 : i32
    return %arg0, %c0_i32 : i32, i32
  }
}

module attributes {stable_mosaic.version = 14 : i64} {
  func.func @_final_body(%arg0: i32, %arg1: memref<400x128xf32, #tpu.memory_space<vmem>>, %arg2: memref<400x1xf32, #tpu.memory_space<vmem>>, %arg3: memref<400x128xf32, #tpu.memory_space<vmem>>, %arg4: memref<400x128xf32, #tpu.memory_space<vmem>>, %arg5: memref<1x256xf32, #tpu.memory_space<vmem>>, %arg6: memref<1x1xf32, #tpu.memory_space<vmem>>, %arg7: memref<400x1xf32, #tpu.memory_space<vmem>>) attributes {dimension_semantics = [#tpu.dimension_semantics<arbitrary>], iteration_bounds = array<i64: 25>, scalar_prefetch = 0 : i64, scratch_operands = 0 : i64, tpu.core_type = #tpu.core_type<tc>, window_params = [{transform_indices = @transform_0, window_bounds = array<i64: 400, 128>}, {transform_indices = @transform_1, window_bounds = array<i64: 400, 1>}, {transform_indices = @transform_2, window_bounds = array<i64: 400, 128>}, {transform_indices = @transform_3, window_bounds = array<i64: 400, 128>}, {pipeline_mode = #tpu.pipeline_mode<synchronous>, transform_indices = @transform_4, window_bounds = array<i64: 1, 256>}, {pipeline_mode = #tpu.pipeline_mode<synchronous>, transform_indices = @transform_5, window_bounds = array<i64: 1, 1>}, {transform_indices = @transform_6, window_bounds = array<i64: 400, 1>}]} {
    %get3A = arith.constant 0 : index
    %get3A_0 = arith.constant 0 : index
    %get3A_1 = vector.load %arg2[%get3A, %get3A_0] : memref<400x1xf32, #tpu.memory_space<vmem>>, vector<400x1xf32>
    %max3A = arith.constant 1.000000e+00 : f32
    %max3A_2 = vector.broadcast %max3A : f32 to vector<400x1xf32>
    %max3A_3 = arith.maximumf %get3A_1, %max3A_2 : vector<400x1xf32>
    %get3A_4 = arith.constant 0 : index
    %get3A_5 = arith.constant 0 : index
    %get3A_6 = vector.load %arg1[%get3A_4, %get3A_5] : memref<400x128xf32, #tpu.memory_space<vmem>>, vector<400x128xf32>
    %div3A = vector.broadcast %max3A_3 : vector<400x1xf32> to vector<400x128xf32>
    %div3A_7 = arith.divf %get3A_6, %div3A : vector<400x128xf32>
    %get3A_8 = arith.constant 0 : index
    %get3A_9 = arith.constant 0 : index
    %get3A_10 = vector.load %arg3[%get3A_8, %get3A_9] : memref<400x128xf32, #tpu.memory_space<vmem>>, vector<400x128xf32>
    %add3A = arith.addf %div3A_7, %get3A_10 : vector<400x128xf32>
    %max3A_11 = arith.constant 0.000000e+00 : f32
    %max3A_12 = vector.broadcast %max3A_11 : f32 to vector<400x128xf32>
    %max3A_13 = arith.maximumf %add3A, %max3A_12 : vector<400x128xf32>
    %get3A_14 = arith.constant 0 : index
    %get3A_15 = arith.constant 0 : index
    %get3A_16 = vector.load %arg4[%get3A_14, %get3A_15] : memref<400x128xf32, #tpu.memory_space<vmem>>, vector<400x128xf32>
    %get3A_17 = arith.constant 0 : index
    %get3A_18 = arith.constant 0 : index
    %get3A_19 = vector.load %arg5[%get3A_17, %get3A_18] : memref<1x256xf32, #tpu.memory_space<vmem>>, vector<1x128xf32>
    %dot_general3A = arith.constant dense<0.000000e+00> : vector<400x1xf32>
    %dot_general3A_20 = tpu.matmul %get3A_16, %get3A_19, %dot_general3A {dimension_numbers = #tpu.dot_dimension_numbers<[1], [1], [0], [0], [0, 0, 1, 0], [], []>, transpose_lhs_hint = false} : vector<400x128xf32>, vector<1x128xf32>, vector<400x1xf32> -> vector<400x1xf32>
    %get3A_21 = arith.constant 0 : index
    %get3A_22 = arith.constant 128 : index
    %get3A_23 = vector.load %arg5[%get3A_21, %get3A_22] : memref<1x256xf32, #tpu.memory_space<vmem>>, vector<1x128xf32>
    %dot_general3A_24 = arith.constant dense<0.000000e+00> : vector<400x1xf32>
    %dot_general3A_25 = tpu.matmul %max3A_13, %get3A_23, %dot_general3A_24 {dimension_numbers = #tpu.dot_dimension_numbers<[1], [1], [0], [0], [0, 0, 1, 0], [], []>, transpose_lhs_hint = false} : vector<400x128xf32>, vector<1x128xf32>, vector<400x1xf32> -> vector<400x1xf32>
    %add3A_26 = arith.addf %dot_general3A_20, %dot_general3A_25 : vector<400x1xf32>
    %get3A_27 = arith.constant 0 : index
    %get3A_28 = arith.constant 0 : index
    %get3A_29 = vector.load %arg6[%get3A_27, %get3A_28] : memref<1x1xf32, #tpu.memory_space<vmem>>, vector<1x1xf32>
    %add3A_30 = vector.broadcast %get3A_29 : vector<1x1xf32> to vector<400x1xf32>
    %add3A_31 = arith.addf %add3A_26, %add3A_30 : vector<400x1xf32>
    %logistic3A = arith.negf %add3A_31 : vector<400x1xf32>
    %logistic3A_32 = math.exp %logistic3A : vector<400x1xf32>
    %logistic3A_33 = arith.constant 1.000000e+00 : f32
    %logistic3A_34 = vector.broadcast %logistic3A_33 : f32 to vector<400x1xf32>
    %logistic3A_35 = arith.addf %logistic3A_34, %logistic3A_32 : vector<400x1xf32>
    %logistic3A_36 = arith.divf %logistic3A_34, %logistic3A_35 : vector<400x1xf32>
    %swap3A = arith.constant 0 : index
    %swap3A_37 = arith.constant 0 : index
    %swap3A_38 = vector.load %arg7[%swap3A, %swap3A_37] : memref<400x1xf32, #tpu.memory_space<vmem>>, vector<400x1xf32>
    tpu.vector_store %arg7[%swap3A, %swap3A_37], %logistic3A_36 {strides = array<i32>} : memref<400x1xf32, #tpu.memory_space<vmem>>, vector<400x1xf32>,
    return
  }
  func.func @transform_0(%arg0: i32) -> (i32, i32) {
    %c0_i32 = arith.constant 0 : i32
    %c0_i32_0 = arith.constant 0 : i32
    return %arg0, %c0_i32 : i32, i32
  }
  func.func @transform_1(%arg0: i32) -> (i32, i32) {
    %c0_i32 = arith.constant 0 : i32
    %c0_i32_0 = arith.constant 0 : i32
    return %arg0, %c0_i32 : i32, i32
  }
  func.func @transform_2(%arg0: i32) -> (i32, i32) {
    %c0_i32 = arith.constant 0 : i32
    %c0_i32_0 = arith.constant 0 : i32
    return %arg0, %c0_i32 : i32, i32
  }
  func.func @transform_3(%arg0: i32) -> (i32, i32) {
    %c0_i32 = arith.constant 0 : i32
    %c0_i32_0 = arith.constant 0 : i32
    return %arg0, %c0_i32 : i32, i32
  }
  func.func @transform_4(%arg0: i32) -> (i32, i32) {
    %c0_i32 = arith.constant 0 : i32
    %c0_i32_0 = arith.constant 0 : i32
    %c0_i32_1 = arith.constant 0 : i32
    return %c0_i32, %c0_i32_0 : i32, i32
  }
  func.func @transform_5(%arg0: i32) -> (i32, i32) {
    %c0_i32 = arith.constant 0 : i32
    %c0_i32_0 = arith.constant 0 : i32
    %c0_i32_1 = arith.constant 0 : i32
    return %c0_i32, %c0_i32_0 : i32, i32
  }
  func.func @transform_6(%arg0: i32) -> (i32, i32) {
    %c0_i32 = arith.constant 0 : i32
    %c0_i32_0 = arith.constant 0 : i32
    return %arg0, %c0_i32 : i32, i32
  }
}

</mosaic_0001>

<sc_bundles>
// kernel: kernel.10.cloned.1.call-start
scs
__scs_entry_jumppad:
0x0: {  	(pc) =	sbr.rel $0x88, $3  }
0x1: {  	(tag) =	ssettag $0x0;
	lr =	simm.s32 $0x1  }
0x2: {  	[smem:$0x3F97] =	sst lr;
	_ =	strace $0xD0000000  }
0x3: {  	_ = 	snop  }
0x4: {  	_ = 	snop  }
0x5: {  	_ = 	snop  }
0x6: {  	_ = 	snop  }
0x7: {  	_ = 	snop  }
__scs_overlays_trampoline_lowered:
0x8: {  	[smem:$0x3FA6] =	sst s0  }
0x9: {  	[smem:$0x3FA7] =	sst s1  }
0xa: {  	[smem:$0x3FA8] =	sst s2  }
0xb: {  	[smem:$0x3FA9] =	sst s3  }
0xc: {  	[smem:$0x3FAA] =	sst s4  }
0xd: {  	[smem:$0x3FAB] =	sst s5  }
0xe: {  	[smem:$0x3FAC] =	sst s6  }
0xf: {  	[smem:$0x3FAD] =	sst s7  }
0x10: {  	[smem:$0x3FAE] =	sst s8  }
0x11: {  	[smem:$0x3FAF] =	sst s9;
	s0 =	simm.s32 @!p0 $0x0  }
0x12: {  	s1 =	sld [smem:$0x3F95];
	s0 =	simm.s32 @p0 $0x1  }
0x13: {  	[smem:$0x3FB0] =	sst s0;
	s0 =	simm.s32 @!p1 $0x0  }
0x14: {  	s2 =	sld [smem:$0x3F94];
	s0 =	simm.s32 @p1 $0x1  }
0x15: {  	[smem:$0x3FB1] =	sst s0;
	s0 =	simm.s32 @!p2 $0x0  }
0x16: {  	s3 =	sld [smem:$0x3FDB];
	s0 =	simm.s32 @p2 $0x1  }
0x17: {  	s4 =	simm.s32 $0x1BF5;
	[smem:$0x3FB3] =	sst s0  }
0x18: {  	s0 =	sld [smem:$0x3F96];
	_ =	swait.ge [sflag:s4], $0x0  }
0x19: {  	s7 =	sld [smem:$0x3F97]  }
0x1a: {  	s8 =	sadd.s32 $0xFFFFE003, lr  }
0x1b: {  	s9 =	sadd.s32 $0xFFFFFEF7, lr;
	s5 =	simm.s32 $0xFFFFFFFF;
	p2 =	slt.u32 s8, $0xFFFFF086  }
0x1c: {  	p1 =	slt.u32 s9, $0xF7A;
	s5 =	simm.s32 @!p2 $0x0  }
0x1d: {  	s5 =	simm.s32 @p1 $0x1;
	p0 =	seq.s32 s7, s2  }
0x1e: {  	s7 =	smul.u32 @!p0 $0xF7A, s2;
	p2 =	seq.s32 @!p0 s5, $0x0  }
0x1f: {  	s9 =	smul.u32 $0xF7A, s1;
	s8 =	simm.s32 @!p0 $0x1BF5;
	p2 =	por !p2, p0  }
0x20: {  	[sflag:s8] =	ssyncset.s32 @!p0 $0xFFFFF086;
	s6 =	sadd.s32 @!p0 s3, s7;
	s7 =	simm.s32 @!p0 $0x108  }
0x21: {  	s3 =	sadd.s32 s3, s9;
	s6 =	sadd.s32 @!p0 $0x88, s6;
	s7 =	simm.s32 @p2 $0x1082  }
0x22: {  	[simem:s7], [sflag:s8] =	dma.local @!p0 [hbm:s6], $0xF7A  }
0x23: {  	s9 =	sor.u32 $0xD0000000, s2;
	s6 =	simm.s32 $0x108;
	_ =	swait.ge @!p0 [sflag:s8], $0x0  }
0x24: {  	s3 =	sadd.s32 $0x88, s3;
	s6 =	simm.s32 @!p1 $0x1082;
	[sflag:s4] =	ssyncset.s32 $0xFFFFF086  }
0x25: {  	[simem:s6], [sflag:s4] =	dma.local [hbm:s3], $0xF7A  }
0x26: {  	[smem:$0x3F97] =	sst s1;
	(tag) =	ssettag s2;
	_ =	strace s9  }
0x27: {  	s1 =	sld [smem:$0x3FA7]  }
0x28: {  	s2 =	sld [smem:$0x3FA8]  }
0x29: {  	s4 =	sld [smem:$0x3FAA]  }
0x2a: {  	p0 =	seq.s32 s5, $0x0;
	s5 =	sld [smem:$0x3FAB]  }
0x2b: {  	s6 =	sld [smem:$0x3FAC]  }
0x2c: {  	s7 =	sld [smem:$0x3FAD]  }
0x2d: {  	s3 =	simm.s32 $0x108;
	s8 =	sld [smem:$0x3FAE]  }
0x2e: {  	s3 =	simm.s32 @!p0 $0x1082;
	s9 =	sld [smem:$0x3FAF]  }
0x2f: {  	lr =	sadd.s32 s0, s3;
	s0 =	sld [smem:$0x3FA6]  }
0x30: {  	s3 =	sld [smem:$0x3FA9]  }
0x31: {  	[smem:$0x3FB2] =	sst s10  }
0x32: {  	s10 =	sld [smem:$0x3FB0];
	_ =	sdelay $0x3  }
0x33: {  	p0 =	seq.s32 s10, $0x1;
	s10 =	sld [smem:$0x3FB2];
	_ =	sdelay $0x3  }
0x34: {  	[smem:$0x3FB2] =	sst s10  }
0x35: {  	s10 =	sld [smem:$0x3FB1];
	_ =	sdelay $0x3  }
0x36: {  	p1 =	seq.s32 s10, $0x1;
	s10 =	sld [smem:$0x3FB2];
	_ =	sdelay $0x3  }
0x37: {  	[smem:$0x3FB2] =	sst s10  }
0x38: {  	s10 =	sld [smem:$0x3FB3]  }
0x39: {  	_ = 	snop;
	(pc) =	sbr.ind lr, $3  }
0x3a: {  	_ = 	snop  }
0x3b: {  	_ = 	snop  }
0x3c: {  	p2 =	seq.s32 s10, $0x1;
	s10 =	sld [smem:$0x3FB2]  }
0x3d: {  	_ =	shalt  }
0x3e: {  	_ =	shalt  }
0x3f: {  	_ =	shalt  }
0x40: {  	_ =	shalt  }
0x41: {  	_ =	shalt  }
0x42: {  	_ =	shalt  }
0x43: {  	_ =	shalt  }
0x44: {  	_ =	shalt  }
0x45: {  	_ =	shalt  }
0x46: {  	_ =	shalt  }
0x47: {  	_ =	shalt  }
0x48: {  	_ =	shalt  }
0x49: {  	_ =	shalt  }
0x4a: {  	_ =	shalt  }
0x4b: {  	_ =	shalt  }
0x4c: {  	_ =	shalt  }
0x4d: {  	_ =	shalt  }
0x4e: {  	_ =	shalt  }
0x4f: {  	_ =	shalt  }
0x50: {  	_ =	shalt  }
0x51: {  	_ =	shalt  }
0x52: {  	_ =	shalt  }
0x53: {  	_ =	shalt  }
0x54: {  	_ =	shalt  }
0x55: {  	_ =	shalt  }
0x56: {  	_ =	shalt  }
0x57: {  	_ =	shalt  }
0x58: {  	_ =	shalt  }
0x59: {  	_ =	shalt  }
0x5a: {  	_ =	shalt  }
0x5b: {  	_ =	shalt  }
0x5c: {  	_ =	shalt  }
0x5d: {  	_ =	shalt  }
0x5e: {  	_ =	shalt  }
0x5f: {  	_ =	shalt  }
0x60: {  	_ =	shalt  }
0x61: {  	_ =	shalt  }
0x62: {  	_ =	shalt  }
0x63: {  	_ =	shalt  }
0x64: {  	_ =	shalt  }
0x65: {  	_ =	shalt  }
0x66: {  	_ =	shalt  }
0x67: {  	_ =	shalt  }
0x68: {  	_ =	shalt  }
0x69: {  	_ =	shalt  }
0x6a: {  	_ =	shalt  }
0x6b: {  	_ =	shalt  }
0x6c: {  	_ =	shalt  }
0x6d: {  	_ =	shalt  }
0x6e: {  	_ =	shalt  }
0x6f: {  	_ =	shalt  }
0x70: {  	_ =	shalt  }
0x71: {  	_ =	shalt  }
0x72: {  	_ =	shalt  }
0x73: {  	_ =	shalt  }
0x74: {  	_ =	shalt  }
0x75: {  	_ =	shalt  }
0x76: {  	_ =	shalt  }
0x77: {  	_ =	shalt  }
0x78: {  	_ =	shalt  }
0x79: {  	_ =	shalt  }
0x7a: {  	_ =	shalt  }
0x7b: {  	_ =	shalt  }
0x7c: {  	_ =	shalt  }
0x7d: {  	_ =	shalt  }
0x7e: {  	_ =	shalt  }
0x7f: {  	_ =	shalt  }
0x80: {  	_ =	shalt  }
0x81: {  	_ =	shalt  }
0x82: {  	_ =	shalt  }
0x83: {  	_ =	shalt  }
0x84: {  	_ =	shalt  }
0x85: {  	_ =	shalt  }
0x86: {  	_ =	shalt  }
0x87: {  	_ =	shalt  }
.Lfunc_end0:
.L_simem_size_0:
called_computation.1_lowered:
.L_overlay_start_0:
0x88: {  	s2 =	sld [smem:$0x3FD9]  }
0x89: {  	s3 =	sld [smem:$0x3FFE];
	_ =	sdelay $0x1  }
0x8a: {  	s1 =	srdreg.scid  }
0x8b: {  	s0 =	sand.u32 $0x1, s1  }
0x8c: {  	s17 =	sshll.u32 s0, $0xA;
	s2 =	sadd.s32 s3, s2  }
0x8d: {  	s2 =	sadd.s32 s2, s17  }
0x8e: {  	[smem:$0x3FBE] =	sst s2  }
0x8f: {  	_ = 	snop  }
0x90: {  	s2 =	sld [smem:$0x3FD0];
	(tm) =	ssettm $0x1  }
0x91: {  	s18 =	sld [smem:$0x3FFB];
	_ =	sdelay $0x3  }
0x92: {  	_ =	strace s18  }
0x93: {  	s3 =	sld [smem:$0x3FFC];
	_ =	sdelay $0x3  }
0x94: {  	_ =	strace s3  }
0x95: {  	s3 =	sld [smem:$0x3FFD];
	_ =	sdelay $0x3  }
0x96: {  	_ =	strace s3  }
0x97: {  	_ =	strace $0x8FFFFFFF  }
0x98: {  	s19 =	sld [smem:$0x3FDB];
	_ =	sdelay $0x1  }
0x99: {  	s4 =	simm.s32 $_scs_section_size  }
0x9a: {  	s5 =	simm.s32 $_size__tile_overlayer_lowered;
	s6 =	simm.s32 $_tile_overlayer_lowered  }
0x9b: {  	s22 =	simm.s32 $0x1BFF;
	s21 =	sshll.u32 s6, $0x1;
	s3 =	sadd.s32 s4, s19  }
0x9c: {  	s7 =	simm.s32 $0x0;
	s20 =	sshll.u32 s5, $0x1;
	s5 =	sadd.s32 s21, s3  }
0x9d: {  	[timem:s7], [sflag:s22] =	dma.local [hbm:s5], s20  }
0x9e: {  	_ =	swait.ge [sflag:s22], s20  }
0x9f: {  	s4 =	ssub.s32 $0x0, s20;
	[sflag:s22] =	ssyncset.done $0x0  }
0xa0: {  	[sflag:s22] =	ssyncadd.s32 s4;
	_ =	sdelay $0x1  }
0xa1: {  	s23 =	simm.s32 $0x1B8B  }
0xa2: {  	_ =	swait.ge [sflag:s23], $0x1  }
0xa3: {  	[sflag:s23] =	ssyncset.done $0x0  }
0xa4: {  	s25 =	simm.s32 $0x1B8E;
	s24 =	sld [smem:$0x3FFE];
	[sflag:s23] =	ssyncadd.s32 $0xFFFFFFFF  }
0xa5: {  	s26 =	simm.s32 $execute0_lowered;
	[smem:$0x3FD2] =	sst s25  }
0xa6: {  	s5 =	sshll.u32 s26, $0x1;
	_ =	strace $0x80000049;
	[dreg:$0x1] =	wrdreg $0xFFFFFFFF  }
0xa7: {  	s28 =	simm.s32 $_size_execute0_lowered;
	s3 =	sadd.s32 s3, s5;
	[dreg:$0x0] =	wrdreg $0x0  }
0xa8: {  	s5 =	sshll.u32 s28, $0x1;
	[dreg:$0x2] =	wrdreg s3  }
0xa9: {  	[dreg:$0x3] =	wrdreg s5  }
0xaa: {  	[dreg:$0x4] =	wrdreg $0xC0  }
0xab: {  	_ =	task [dreg:s7], $0x5FFFF  }
0xac: {  	[dreg:$0x1] =	wrdreg $0xFFFFFFFF  }
0xad: {  	[dreg:$0x0] =	wrdreg $0x60  }
0xae: {  	[dreg:$0x2] =	wrdreg s24  }
0xaf: {  	[dreg:$0x3] =	wrdreg s2  }
0xb0: {  	[dreg:$0x4] =	wrdreg $0x134800  }
0xb1: {  	[dreg:$0x5] =	wrdreg $0x1D4800  }
0xb2: {  	[dreg:$0x6] =	wrdreg $0x9  }
0xb3: {  	_ =	task.clear_ibuf [dreg:s7], $0x7FFFF;
	_ =	strace $0x90000049  }
0xb4: {  	s29 =	simm.s32 $0x9;
	_ =	strace $0x8000004B  }
0xb5: {  	_ =	swait.ge [sflag:s29], $0x1  }
0xb6: {  	[sflag:s29] =	ssyncadd.s32 $0xFFFFFFFF  }
0xb7: {  	_ =	strace $0x9000004B  }
0xb8: {  	_ =	sfence  }
0xb9: {  	s30 =	sld [smem:$0x0];
	_ =	sdelay $0x2  }
0xba: {  	s31 =	sshll.u32 s1, $0xD;
	s1 =	sshrl.u32 s1, $0x2  }
0xbb: {  	s3 =	sand.u32 $0x4000, s31;
	s1 =	sadd.s32 s1, s30  }
0xbc: {  	s0 =	sor.u32 s3, s0;
	s1 =	sshll.u32 s1, $0x11  }
0xbd: {  	s0 =	sor.u32 s1, s0  }
0xbe: {  	s0 =	sadd.s32 $0x8F2B, s0  }
0xbf: {  	[sflag:s0] =	ssyncadd.remote.s32 $0x1  }
0xc0: {  	_ =	sfence.sel $0xFFFF  }
0xc1: {  	[dreg:$0x0] =	wrdreg $0xFFFFFFFF;
	(pc) =	sbr.abs _section_cstart, $3  }
0xc2: {  	[dreg:$0x1] =	wrdreg $0xFFFFFFFF  }
0xc3: {  	_ =	task.clear_ibuf [dreg:s7], $0x2FFFF;
	_ =	strace $0x9FFFFFFF  }
0xc4: {  	(tm) =	ssettm $0x7FFFFFFF  }
0xc5: {  	_ =	shalt  }
tec
execute0_lowered:
.L_overlay_start_1:
0x0: {  	(tag) =	ssettag $0x1  }
0x1: {  	s0 =	rddreg [dreg:$0x0]  }
0x2: {  	s1 =	rddreg [dreg:$0x2]  }
0x3: {  	s2 =	stileid.u32;
	s3 =	srdreg.scid  }
0x4: {  	s19 =	rddreg [dreg:$0x3];
	s4 =	simm.s32 $0x0;
	s17 =	simm.s32 $0x12000  }
0x5: {  	s18 =	simm.s32 $0x13400;
	s21 =	simm.s32 $0x80;
	s6 =	smul.u32 $0x5000, s2  }
0x6: {  	s22 =	simm.s32 $0xA000;
	s28 =	simm.s32 $0x2;
	s11 =	smul.u32 $0x28000, s2  }
0x7: {  	s30 =	simm.s32 $0x9E00;
	s31 =	simm.s32 $0x9E80;
	s14 =	smul.u32 $0x1400, s2  }
0x8: {  	s3 =	sand.u32 $0x1, s3;
	[smem:$0x7FF] =	sst s4;
	s26 =	smul.u32 $0x9C00, s2  }
0x9: {  	s12 =	sadd.s32 $0xAB400, s0;
	s25 =	sshll.u32 s2, $0x6;
	s29 =	smul.u32 $0x27000, s2  }
0xa: {  	p0 =	sne.s32 s2, $0x0;
	s2 =	simm.s32 $0x28;
	s5 =	smul.u32 $0x50000, s3  }
0xb: {  	_ =	strace $0x8000004A;
	s23 =	smul.u32 $0x280, s3;
	s8 =	ssub.s32 $0x2, s3  }
0xc: {  	s3 =	smul.u32 $0x9C400, s3;
	s19 =	sshrl.u32 @!p0 s19, $0x3;
	s13 =	sshrl.u32 s8, $0x1  }
0xd: {  	s24 =	sshrl.u32 s11, $0x2;
	s7 =	sadd.s32 s6, s5;
	s5 =	sadd.s32 $0x48A00, s0  }
0xe: {  	s6 =	sshrl.u32 s6, $0x3;
	s15 =	ssub.s32 s8, s13;
	s16 =	sadd.s32 s24, s1  }
0xf: {  	s8 =	sor.u32 $0x1C03, s25;
	s11 =	sadd.s32 s26, s3;
	s3 =	sshrl.u32 s3, $0x3  }
0x10: {  	s13 =	sshrl.u32 s29, $0x2;
	s26 =	simm.s32 $0xE000;
	s7 =	sshrl.u32 s7, $0x3  }
0x11: {  	s9 =	sadd.s32 s6, s0;
	s6 =	sadd.s32 $0x6FC00, s0;
	s11 =	sshrl.u32 s11, $0x3  }
0x12: {  	s3 =	sadd.s32 s12, s3;
	s24 =	sadd.s32 s13, s1;
	s10 =	sadd.s32 s7, s0  }
0x13: {  	s0 =	sadd.s32 s23, s0;
	s7 =	sadd.s32 s6, s14;
	s9 =	sadd.s32 $0x3800, s9  }
0x14: {  	s11 =	sadd.s32 s12, s11;
	s12 =	sadd.s32 $0x13800, s3;
	s3 =	sadd.s32 $0x9C000, s1  }
0x15: {  	s14 =	smax.u32 s15, $0x1;
	s15 =	sshrl.u32 s16, $0x3;
	s16 =	simm.s32 $0x3  }
0x16: {  	s23 =	simm.s32 $0x1;
	s24 =	sshrl.u32 s24, $0x3;
	s10 =	sadd.s32 $0xD800, s10  }
0x17: {  	v0 =	vimm.f32 $1.000000000e+00;
	s13 =	sadd.s32 $0xAAE00, s0;
	s25 =	sshrl.u32 @!p0 s3, $0x3;
	s0 =	simm.s32 $0x0  }
.LBB2_1:
0x18: {  	[spmem:s15], [sflag:s8] =	dma.local [hbm:s7], $0x1400  }
0x19: {  	_ =	swait.ge [sflag:s16], $0x1400  }
0x1a: {  	[sflag:s16] =	ssyncset.done $0x0  }
0x1b: {  	[sflag:s16] =	ssyncadd.s32 $0xFFFFEC00  }
0x1c: {  	[tilespmem:s17], [sflag:$0x3] =	stream.linear.gather [hbm4b:s6+s4], $0x1400, $0x38;
	[tilespmem:$0x1D5C0] =	vst v63  }
0x1d: {  	_ =	swait.ge [sflag:s16], $0x1400  }
0x1e: {  	[sflag:s16] =	ssyncset.done $0x0  }
0x1f: {  	[sflag:s16] =	ssyncadd.s32 $0xFFFFEC00  }
0x20: {  	s3 =	rddreg [dreg:$0x1]  }
0x21: {  	[tilespmem:s18], [sflag:$0x3] =	stream.linear.gather [hbm4b:s3+s4], $0x80, $0x38;
	[tilespmem:$0x1D5C0] =	vst v63  }
0x22: {  	_ =	swait.ge [sflag:s16], $0x80  }
0x23: {  	[sflag:s16] =	ssyncset.done $0x0  }
0x24: {  	s3 =	simm.s32 @!p0 $0x3;
	[sflag:s16] =	ssyncadd.s32 $0xFFFFFF80  }
0x25: {  	[spmem:s19], [sflag:s8] =	dma.local @!p0 [hbm:s6], $0x280  }
0x26: {  	_ =	swait.ge @!p0 [sflag:s3], $0x280  }
0x27: {  	[sflag:s3] =	ssyncset.done @!p0 $0x0  }
0x28: {  	[sflag:s3] =	ssyncadd.s32 @!p0 $0xFFFFFD80  }
0x29: {  	[tilespmem:s4], [sflag:$0x3] =	stream.linear.gather [hbm4b:s9+s4], $0x4F00, $0x38;
	[tilespmem:$0x1D5C0] =	vst v63  }
0x2a: {  	_ =	swait.ge [sflag:s16], $0x4F00  }
0x2b: {  	[sflag:s16] =	ssyncset.done $0x0  }
0x2c: {  	s29 =	simm.s32 $0x5000;
	[sflag:s16] =	ssyncadd.s32 $0xFFFFB100  }
0x2d: {  	[tilespmem:s29], [sflag:$0x3] =	stream.linear.gather [hbm4b:s10+s4], $0x4F00, $0x38;
	[tilespmem:$0x1D5C0] =	vst v63  }
0x2e: {  	_ =	swait.ge [sflag:s16], $0x4F00  }
0x2f: {  	[sflag:s16] =	ssyncset.done $0x0  }
0x30: {  	[sflag:s16] =	ssyncadd.s32 $0xFFFFB100  }
0x31: {  	s3 =	simm.s32 $0x0;
	[bflag:$0x0] =	sbarrier.arrive $0xFFFF  }
0x32: {  	[tilespmem:s22], [sflag:$0x1] =	stream.indirect.gather [hbm4b:s5+s21], $0x80, s4, s21, $0xb8;
	[tilespmem:$0x1D5C0] =	vst v63  }
.LBB2_2:
0x33: {  	_ =	swait.ge [sflag:s23], $0x4000  }
0x34: {  	s20 =	sshra.s32 s3, $0x2;
	[sflag:s23] =	ssyncset.done $0x0  }
0x35: {  	s29 =	sadd.s32 $0x80, s20;
	[sflag:s23] =	ssyncadd.s32 $0xFFFFC000  }
0x36: {  	[tilespmem:s26], [sflag:$0x2] =	stream.indirect.gather [hbm4b:s5+s21], $0x80, s29, s21, $0xb8;
	[tilespmem:$0x1D5C0] =	vst v63  }
0x37: {  	v1 =	vld [tilespmem:s20+$0x5000];
	_ =	sdelay $0x7  }
0x38: {  	[tilespmem:v1+s17+$0x0] =	vst.idx.add.f32.msk $0xffff, v0  }
0x39: {  	v1 =	vld [tilespmem:s20+$0x5010];
	_ =	sdelay $0x7  }
0x3a: {  	[tilespmem:v1+s17+$0x0] =	vst.idx.add.f32.msk $0xffff, v0  }
0x3b: {  	v1 =	vld [tilespmem:s20+$0x5020];
	_ =	sdelay $0x7  }
0x3c: {  	[tilespmem:v1+s17+$0x0] =	vst.idx.add.f32.msk $0xffff, v0  }
0x3d: {  	v1 =	vld [tilespmem:s20+$0x5030];
	_ =	sdelay $0x7  }
0x3e: {  	[tilespmem:v1+s17+$0x0] =	vst.idx.add.f32.msk $0xffff, v0  }
0x3f: {  	v1 =	vld [tilespmem:s20+$0x5040];
	_ =	sdelay $0x7  }
0x40: {  	[tilespmem:v1+s17+$0x0] =	vst.idx.add.f32.msk $0xffff, v0  }
0x41: {  	v1 =	vld [tilespmem:s20+$0x5050];
	_ =	sdelay $0x7  }
0x42: {  	[tilespmem:v1+s17+$0x0] =	vst.idx.add.f32.msk $0xffff, v0  }
0x43: {  	v1 =	vld [tilespmem:s20+$0x5060];
	_ =	sdelay $0x7  }
0x44: {  	[tilespmem:v1+s17+$0x0] =	vst.idx.add.f32.msk $0xffff, v0  }
0x45: {  	v1 =	vld [tilespmem:s20+$0x5070];
	_ =	sdelay $0x7  }
0x46: {  	s29 =	sadd.s32 $0x5000, s20;
	[tilespmem:v1+s17+$0x0] =	vst.idx.add.f32.msk $0xffff, v0  }
0x47: {  	[spmem:s1] =	stream.indirect.scatter.add.f32 [tilespmem:s22], [sflag:$0x3], $0x80, s29, s21, $0xb8;
	[tilespmem:$0x1D5C0] =	vst v63  }
0x48: {  	_ =	swait.ge [sflag:s16], $0x4000  }
0x49: {  	[sflag:s16] =	ssyncset.done $0x0  }
0x4a: {  	[sflag:s16] =	ssyncadd.s32 $0xFFFFC000  }
0x4b: {  	_ =	swait.ge [sflag:s28], $0x4000  }
0x4c: {  	[sflag:s28] =	ssyncset.done $0x0  }
0x4d: {  	s29 =	sadd.s32 $0x100, s20;
	[sflag:s28] =	ssyncadd.s32 $0xFFFFC000  }
0x4e: {  	[tilespmem:s22], [sflag:$0x1] =	stream.indirect.gather [hbm4b:s5+s21], $0x80, s29, s21, $0xb8;
	[tilespmem:$0x1D5C0] =	vst v63  }
0x4f: {  	v1 =	vld [tilespmem:s20+$0x5080];
	_ =	sdelay $0x7  }
0x50: {  	[tilespmem:v1+s17+$0x0] =	vst.idx.add.f32.msk $0xffff, v0  }
0x51: {  	v1 =	vld [tilespmem:s20+$0x5090];
	_ =	sdelay $0x7  }
0x52: {  	[tilespmem:v1+s17+$0x0] =	vst.idx.add.f32.msk $0xffff, v0  }
0x53: {  	v1 =	vld [tilespmem:s20+$0x50A0];
	_ =	sdelay $0x7  }
0x54: {  	[tilespmem:v1+s17+$0x0] =	vst.idx.add.f32.msk $0xffff, v0  }
0x55: {  	v1 =	vld [tilespmem:s20+$0x50B0];
	_ =	sdelay $0x7  }
0x56: {  	[tilespmem:v1+s17+$0x0] =	vst.idx.add.f32.msk $0xffff, v0  }
0x57: {  	v1 =	vld [tilespmem:s20+$0x50C0];
	_ =	sdelay $0x7  }
0x58: {  	[tilespmem:v1+s17+$0x0] =	vst.idx.add.f32.msk $0xffff, v0  }
0x59: {  	v1 =	vld [tilespmem:s20+$0x50D0];
	_ =	sdelay $0x7  }
0x5a: {  	[tilespmem:v1+s17+$0x0] =	vst.idx.add.f32.msk $0xffff, v0  }
0x5b: {  	v1 =	vld [tilespmem:s20+$0x50E0];
	_ =	sdelay $0x7  }
0x5c: {  	[tilespmem:v1+s17+$0x0] =	vst.idx.add.f32.msk $0xffff, v0  }
0x5d: {  	v1 =	vld [tilespmem:s20+$0x50F0];
	_ =	sdelay $0x6  }
0x5e: {  	p1 =	sne.s32 s3, $0x13400  }
.Ltmp0:
0x5f: {  	s20 =	sadd.s32 $0x5080, s20;
	[tilespmem:v1+s17+$0x0] =	vst.idx.add.f32.msk $0xffff, v0;
	(pc) =	sbr.rel @p1 .LBB2_2-.Ltmp0, $4  }
0x60: {  	[spmem:s1] =	stream.indirect.scatter.add.f32 [tilespmem:s26], [sflag:$0x3], $0x80, s20, s21, $0xb8;
	[tilespmem:$0x1D5C0] =	vst v63  }
0x61: {  	_ =	swait.ge [sflag:s16], $0x4000  }
0x62: {  	[sflag:s16] =	ssyncset.done $0x0  }
0x63: {  	s3 =	sadd.s32 $0x400, s3;
	[sflag:s16] =	ssyncadd.s32 $0xFFFFC000  }
0x64: {  	_ =	swait.ge [sflag:s23], $0x4000  }
0x65: {  	[sflag:s23] =	ssyncset.done $0x0  }
0x66: {  	s3 =	simm.s32 $0x4E80;
	[sflag:s23] =	ssyncadd.s32 $0xFFFFC000  }
0x67: {  	[tilespmem:s26], [sflag:$0x2] =	stream.indirect.gather [hbm4b:s5+s21], $0x80, s3, s21, $0xb8;
	[tilespmem:$0x1D5C0] =	vst v63  }
0x68: {  	v1 =	vld [tilespmem:$0x9E00];
	_ =	sdelay $0x7  }
0x69: {  	[tilespmem:v1+s17+$0x0] =	vst.idx.add.f32.msk $0xffff, v0  }
0x6a: {  	v1 =	vld [tilespmem:$0x9E10];
	_ =	sdelay $0x7  }
0x6b: {  	[tilespmem:v1+s17+$0x0] =	vst.idx.add.f32.msk $0xffff, v0  }
0x6c: {  	v1 =	vld [tilespmem:$0x9E20];
	_ =	sdelay $0x7  }
0x6d: {  	[tilespmem:v1+s17+$0x0] =	vst.idx.add.f32.msk $0xffff, v0  }
0x6e: {  	v1 =	vld [tilespmem:$0x9E30];
	_ =	sdelay $0x7  }
0x6f: {  	[tilespmem:v1+s17+$0x0] =	vst.idx.add.f32.msk $0xffff, v0  }
0x70: {  	v1 =	vld [tilespmem:$0x9E40];
	_ =	sdelay $0x7  }
0x71: {  	[tilespmem:v1+s17+$0x0] =	vst.idx.add.f32.msk $0xffff, v0  }
0x72: {  	v1 =	vld [tilespmem:$0x9E50];
	_ =	sdelay $0x7  }
0x73: {  	[tilespmem:v1+s17+$0x0] =	vst.idx.add.f32.msk $0xffff, v0  }
0x74: {  	v1 =	vld [tilespmem:$0x9E60];
	_ =	sdelay $0x7  }
0x75: {  	[tilespmem:v1+s17+$0x0] =	vst.idx.add.f32.msk $0xffff, v0  }
0x76: {  	v1 =	vld [tilespmem:$0x9E70];
	_ =	sdelay $0x7  }
0x77: {  	[tilespmem:v1+s17+$0x0] =	vst.idx.add.f32.msk $0xffff, v0  }
0x78: {  	[spmem:s1] =	stream.indirect.scatter.add.f32 [tilespmem:s22], [sflag:$0x3], $0x80, s30, s21, $0xb8;
	[tilespmem:$0x1D5C0] =	vst v63  }
0x79: {  	_ =	swait.ge [sflag:s16], $0x4000  }
0x7a: {  	[sflag:s16] =	ssyncset.done $0x0  }
0x7b: {  	[sflag:s16] =	ssyncadd.s32 $0xFFFFC000  }
0x7c: {  	_ =	swait.ge [sflag:s28], $0x4000  }
0x7d: {  	[sflag:s28] =	ssyncset.done $0x0  }
0x7e: {  	[sflag:s28] =	ssyncadd.s32 $0xFFFFC000  }
0x7f: {  	v1 =	vld [tilespmem:$0x9E80];
	_ =	sdelay $0x7  }
0x80: {  	[tilespmem:v1+s17+$0x0] =	vst.idx.add.f32.msk $0xffff, v0  }
0x81: {  	v1 =	vld [tilespmem:$0x9E90];
	_ =	sdelay $0x7  }
0x82: {  	[tilespmem:v1+s17+$0x0] =	vst.idx.add.f32.msk $0xffff, v0  }
0x83: {  	v1 =	vld [tilespmem:$0x9EA0];
	_ =	sdelay $0x7  }
0x84: {  	[tilespmem:v1+s17+$0x0] =	vst.idx.add.f32.msk $0xffff, v0  }
0x85: {  	v1 =	vld [tilespmem:$0x9EB0];
	_ =	sdelay $0x7  }
0x86: {  	[tilespmem:v1+s17+$0x0] =	vst.idx.add.f32.msk $0xffff, v0  }
0x87: {  	v1 =	vld [tilespmem:$0x9EC0];
	_ =	sdelay $0x7  }
0x88: {  	[tilespmem:v1+s17+$0x0] =	vst.idx.add.f32.msk $0xffff, v0  }
0x89: {  	v1 =	vld [tilespmem:$0x9ED0];
	_ =	sdelay $0x7  }
0x8a: {  	[tilespmem:v1+s17+$0x0] =	vst.idx.add.f32.msk $0xffff, v0  }
0x8b: {  	v1 =	vld [tilespmem:$0x9EE0];
	_ =	sdelay $0x7  }
0x8c: {  	[tilespmem:v1+s17+$0x0] =	vst.idx.add.f32.msk $0xffff, v0  }
0x8d: {  	v1 =	vld [tilespmem:$0x9EF0];
	_ =	sdelay $0x7  }
0x8e: {  	[tilespmem:v1+s17+$0x0] =	vst.idx.add.f32.msk $0xffff, v0  }
0x8f: {  	[spmem:s1] =	stream.indirect.scatter.add.f32 [tilespmem:s26], [sflag:$0x3], $0x80, s31, s21, $0xb8;
	[tilespmem:$0x1D5C0] =	vst v63  }
0x90: {  	_ =	swait.ge [sflag:s16], $0x4000  }
0x91: {  	[sflag:s16] =	ssyncset.done $0x0  }
0x92: {  	[sflag:s16] =	ssyncadd.s32 $0xFFFFC000  }
0x93: {  	[bflag:$0x0] =	sbarrier.arrive $0xFFFF  }
0x94: {  	s29 =	rddreg [dreg:$0x3]  }
0x95: {  	[spmem:s29] =	stream.indirect.scatter.add.f32 [tilespmem:s17], [sflag:$0x3], $0x80, s18, s2, $0xb8;
	[tilespmem:$0x1D5C0] =	vst v63  }
0x96: {  	_ =	swait.ge [sflag:s16], $0x1400  }
0x97: {  	[sflag:s16] =	ssyncset.done $0x0  }
0x98: {  	[sflag:s16] =	ssyncadd.s32 $0xFFFFEC00  }
0x99: {  	[bflag:$0x0] =	sbarrier.arrive $0xFFFF  }
0x9a: {  	[hbm:s11], [sflag:s8] =	dma.local [spmem:s24], $0x1380  }
0x9b: {  	_ =	swait.ge [sflag:s16], $0x1380  }
0x9c: {  	[sflag:s16] =	ssyncset.done $0x0  }
0x9d: {  	s3 =	simm.s32 @!p0 $0x3;
	[sflag:s16] =	ssyncadd.s32 $0xFFFFEC80  }
0x9e: {  	[hbm:s12], [sflag:s8] =	dma.local @!p0 [spmem:s25], $0x80  }
0x9f: {  	s0 =	sadd.s32 $0x1, s0;
	_ =	swait.ge @!p0 [sflag:s3], $0x80  }
0xa0: {  	p1 =	sne.s32 s0, s14;
	[sflag:s3] =	ssyncset.done @!p0 $0x0  }
.Ltmp1:
0xa1: {  	[sflag:s3] =	ssyncadd.s32 @!p0 $0xFFFFFF80;
	(pc) =	sbr.rel @p1 .LBB2_1-.Ltmp1, $4  }
0xa2: {  	[hbm:s13], [sflag:s8] =	dma.local @!p0 [spmem:s19], $0x280  }
0xa3: {  	_ =	swait.ge @!p0 [sflag:s3], $0x280  }
0xa4: {  	[sflag:s3] =	ssyncset.done @!p0 $0x0  }
0xa5: {  	[sflag:s3] =	ssyncadd.s32 @!p0 $0xFFFFFD80  }
0xa6: {  	_ =	sfence.sel $0x180000  }
0xa7: {  	[bflag:$0x0] =	sbarrier.arrive $0xFFFF  }
0xa8: {  	_ =	strace $0x9000004A  }
0xa9: {  	[bflag:$0x2] =	sbarrier.arrive $0xFFFF  }
0xaa: {  	s0 =	rddreg [dreg:$0x4]  }
0xab: {  	s0 =	sadd.s32 @!p0 $0x100000, s0  }
0xac: {  	[sflag:s0] =	ssyncadd.tile.s32 @!p0 $0x1;
	_ =	shalt  }
.Lfunc_end2:
_tile_overlayer_lowered:
.L_overlay_start_2:
0xad: {  	(tag) =	ssettag $0x2  }
0xae: {  	s0 =	rddreg [dreg:$0x0];
	s2 =	stileid.u32  }
0xaf: {  	s1 =	rddreg [dreg:$0x1];
	p0 =	sne.s32 s2, $0x0  }
0xb0: {  	s3 =	rddreg [dreg:$0x2];
	[bflag:$0x3] =	sbarrier.arrive $0xFFFF;
	s2 =	simm.s32 @!p0 $0x1C03  }
0xb1: {  	[timem:s3], [sflag:s2] =	dma.local @!p0 [hbm:s0], s1  }
0xb2: {  	s0 =	simm.s32 @!p0 $0x3  }
0xb3: {  	_ =	swait.ge @!p0 [sflag:s0], s1  }
0xb4: {  	s1 =	ssub.s32 @!p0 $0x0, s1;
	[sflag:s0] =	ssyncset.done @!p0 $0x0  }
0xb5: {  	[sflag:s0] =	ssyncadd.s32 @!p0 s1  }
0xb6: {  	[bflag:$0x3] =	sbarrier.arrive $0xFFFF  }
0xb7: {  	_ =	shalt  }

// kernel: kernel.7.cloned.1.call-start
scs
__scs_entry_jumppad:
0x0: {  	(pc) =	sbr.rel $0x88, $3  }
0x1: {  	(tag) =	ssettag $0x0;
	lr =	simm.s32 $0x1  }
0x2: {  	[smem:$0x3F97] =	sst lr;
	_ =	strace $0xD0000000  }
0x3: {  	_ = 	snop  }
0x4: {  	_ = 	snop  }
0x5: {  	_ = 	snop  }
0x6: {  	_ = 	snop  }
0x7: {  	_ = 	snop  }
__scs_overlays_trampoline_lowered:
0x8: {  	[smem:$0x3FA6] =	sst s0  }
0x9: {  	[smem:$0x3FA7] =	sst s1  }
0xa: {  	[smem:$0x3FA8] =	sst s2  }
0xb: {  	[smem:$0x3FA9] =	sst s3  }
0xc: {  	[smem:$0x3FAA] =	sst s4  }
0xd: {  	[smem:$0x3FAB] =	sst s5  }
0xe: {  	[smem:$0x3FAC] =	sst s6  }
0xf: {  	[smem:$0x3FAD] =	sst s7  }
0x10: {  	[smem:$0x3FAE] =	sst s8  }
0x11: {  	[smem:$0x3FAF] =	sst s9;
	s0 =	simm.s32 @!p0 $0x0  }
0x12: {  	s1 =	sld [smem:$0x3F95];
	s0 =	simm.s32 @p0 $0x1  }
0x13: {  	[smem:$0x3FB0] =	sst s0;
	s0 =	simm.s32 @!p1 $0x0  }
0x14: {  	s2 =	sld [smem:$0x3F94];
	s0 =	simm.s32 @p1 $0x1  }
0x15: {  	[smem:$0x3FB1] =	sst s0;
	s0 =	simm.s32 @!p2 $0x0  }
0x16: {  	s3 =	sld [smem:$0x3FDB];
	s0 =	simm.s32 @p2 $0x1  }
0x17: {  	s4 =	simm.s32 $0x1BF5;
	[smem:$0x3FB3] =	sst s0  }
0x18: {  	s0 =	sld [smem:$0x3F96];
	_ =	swait.ge [sflag:s4], $0x0  }
0x19: {  	s7 =	sld [smem:$0x3F97]  }
0x1a: {  	s8 =	sadd.s32 $0xFFFFE003, lr  }
0x1b: {  	s9 =	sadd.s32 $0xFFFFFEF7, lr;
	s5 =	simm.s32 $0xFFFFFFFF;
	p2 =	slt.u32 s8, $0xFFFFF086  }
0x1c: {  	p1 =	slt.u32 s9, $0xF7A;
	s5 =	simm.s32 @!p2 $0x0  }
0x1d: {  	s5 =	simm.s32 @p1 $0x1;
	p0 =	seq.s32 s7, s2  }
0x1e: {  	s7 =	smul.u32 @!p0 $0xF7A, s2;
	p2 =	seq.s32 @!p0 s5, $0x0  }
0x1f: {  	s9 =	smul.u32 $0xF7A, s1;
	s8 =	simm.s32 @!p0 $0x1BF5;
	p2 =	por !p2, p0  }
0x20: {  	[sflag:s8] =	ssyncset.s32 @!p0 $0xFFFFF086;
	s6 =	sadd.s32 @!p0 s3, s7;
	s7 =	simm.s32 @!p0 $0x108  }
0x21: {  	s3 =	sadd.s32 s3, s9;
	s6 =	sadd.s32 @!p0 $0x88, s6;
	s7 =	simm.s32 @p2 $0x1082  }
0x22: {  	[simem:s7], [sflag:s8] =	dma.local @!p0 [hbm:s6], $0xF7A  }
0x23: {  	s9 =	sor.u32 $0xD0000000, s2;
	s6 =	simm.s32 $0x108;
	_ =	swait.ge @!p0 [sflag:s8], $0x0  }
0x24: {  	s3 =	sadd.s32 $0x88, s3;
	s6 =	simm.s32 @!p1 $0x1082;
	[sflag:s4] =	ssyncset.s32 $0xFFFFF086  }
0x25: {  	[simem:s6], [sflag:s4] =	dma.local [hbm:s3], $0xF7A  }
0x26: {  	[smem:$0x3F97] =	sst s1;
	(tag) =	ssettag s2;
	_ =	strace s9  }
0x27: {  	s1 =	sld [smem:$0x3FA7]  }
0x28: {  	s2 =	sld [smem:$0x3FA8]  }
0x29: {  	s4 =	sld [smem:$0x3FAA]  }
0x2a: {  	p0 =	seq.s32 s5, $0x0;
	s5 =	sld [smem:$0x3FAB]  }
0x2b: {  	s6 =	sld [smem:$0x3FAC]  }
0x2c: {  	s7 =	sld [smem:$0x3FAD]  }
0x2d: {  	s3 =	simm.s32 $0x108;
	s8 =	sld [smem:$0x3FAE]  }
0x2e: {  	s3 =	simm.s32 @!p0 $0x1082;
	s9 =	sld [smem:$0x3FAF]  }
0x2f: {  	lr =	sadd.s32 s0, s3;
	s0 =	sld [smem:$0x3FA6]  }
0x30: {  	s3 =	sld [smem:$0x3FA9]  }
0x31: {  	[smem:$0x3FB2] =	sst s10  }
0x32: {  	s10 =	sld [smem:$0x3FB0];
	_ =	sdelay $0x3  }
0x33: {  	p0 =	seq.s32 s10, $0x1;
	s10 =	sld [smem:$0x3FB2];
	_ =	sdelay $0x3  }
0x34: {  	[smem:$0x3FB2] =	sst s10  }
0x35: {  	s10 =	sld [smem:$0x3FB1];
	_ =	sdelay $0x3  }
0x36: {  	p1 =	seq.s32 s10, $0x1;
	s10 =	sld [smem:$0x3FB2];
	_ =	sdelay $0x3  }
0x37: {  	[smem:$0x3FB2] =	sst s10  }
0x38: {  	s10 =	sld [smem:$0x3FB3]  }
0x39: {  	_ = 	snop;
	(pc) =	sbr.ind lr, $3  }
0x3a: {  	_ = 	snop  }
0x3b: {  	_ = 	snop  }
0x3c: {  	p2 =	seq.s32 s10, $0x1;
	s10 =	sld [smem:$0x3FB2]  }
0x3d: {  	_ =	shalt  }
0x3e: {  	_ =	shalt  }
0x3f: {  	_ =	shalt  }
0x40: {  	_ =	shalt  }
0x41: {  	_ =	shalt  }
0x42: {  	_ =	shalt  }
0x43: {  	_ =	shalt  }
0x44: {  	_ =	shalt  }
0x45: {  	_ =	shalt  }
0x46: {  	_ =	shalt  }
0x47: {  	_ =	shalt  }
0x48: {  	_ =	shalt  }
0x49: {  	_ =	shalt  }
0x4a: {  	_ =	shalt  }
0x4b: {  	_ =	shalt  }
0x4c: {  	_ =	shalt  }
0x4d: {  	_ =	shalt  }
0x4e: {  	_ =	shalt  }
0x4f: {  	_ =	shalt  }
0x50: {  	_ =	shalt  }
0x51: {  	_ =	shalt  }
0x52: {  	_ =	shalt  }
0x53: {  	_ =	shalt  }
0x54: {  	_ =	shalt  }
0x55: {  	_ =	shalt  }
0x56: {  	_ =	shalt  }
0x57: {  	_ =	shalt  }
0x58: {  	_ =	shalt  }
0x59: {  	_ =	shalt  }
0x5a: {  	_ =	shalt  }
0x5b: {  	_ =	shalt  }
0x5c: {  	_ =	shalt  }
0x5d: {  	_ =	shalt  }
0x5e: {  	_ =	shalt  }
0x5f: {  	_ =	shalt  }
0x60: {  	_ =	shalt  }
0x61: {  	_ =	shalt  }
0x62: {  	_ =	shalt  }
0x63: {  	_ =	shalt  }
0x64: {  	_ =	shalt  }
0x65: {  	_ =	shalt  }
0x66: {  	_ =	shalt  }
0x67: {  	_ =	shalt  }
0x68: {  	_ =	shalt  }
0x69: {  	_ =	shalt  }
0x6a: {  	_ =	shalt  }
0x6b: {  	_ =	shalt  }
0x6c: {  	_ =	shalt  }
0x6d: {  	_ =	shalt  }
0x6e: {  	_ =	shalt  }
0x6f: {  	_ =	shalt  }
0x70: {  	_ =	shalt  }
0x71: {  	_ =	shalt  }
0x72: {  	_ =	shalt  }
0x73: {  	_ =	shalt  }
0x74: {  	_ =	shalt  }
0x75: {  	_ =	shalt  }
0x76: {  	_ =	shalt  }
0x77: {  	_ =	shalt  }
0x78: {  	_ =	shalt  }
0x79: {  	_ =	shalt  }
0x7a: {  	_ =	shalt  }
0x7b: {  	_ =	shalt  }
0x7c: {  	_ =	shalt  }
0x7d: {  	_ =	shalt  }
0x7e: {  	_ =	shalt  }
0x7f: {  	_ =	shalt  }
0x80: {  	_ =	shalt  }
0x81: {  	_ =	shalt  }
0x82: {  	_ =	shalt  }
0x83: {  	_ =	shalt  }
0x84: {  	_ =	shalt  }
0x85: {  	_ =	shalt  }
0x86: {  	_ =	shalt  }
0x87: {  	_ =	shalt  }
.Lfunc_end0:
.L_simem_size_0:
called_computation_lowered:
.L_overlay_start_0:
0x88: {  	s2 =	sld [smem:$0x3FD9]  }
0x89: {  	s3 =	sld [smem:$0x3FFE];
	_ =	sdelay $0x1  }
0x8a: {  	s1 =	srdreg.scid  }
0x8b: {  	s0 =	sand.u32 $0x1, s1  }
0x8c: {  	s17 =	sshll.u32 s0, $0xA;
	s2 =	sadd.s32 s3, s2  }
0x8d: {  	s2 =	sadd.s32 s2, s17  }
0x8e: {  	[smem:$0x3FBE] =	sst s2  }
0x8f: {  	_ = 	snop  }
0x90: {  	s2 =	sld [smem:$0x3FD0];
	(tm) =	ssettm $0x1  }
0x91: {  	s18 =	sld [smem:$0x3FFB];
	_ =	sdelay $0x3  }
0x92: {  	_ =	strace s18  }
0x93: {  	s3 =	sld [smem:$0x3FFC];
	_ =	sdelay $0x3  }
0x94: {  	_ =	strace s3  }
0x95: {  	s3 =	sld [smem:$0x3FFD];
	_ =	sdelay $0x3  }
0x96: {  	_ =	strace s3  }
0x97: {  	_ =	strace $0x8FFFFFFF  }
0x98: {  	s19 =	sld [smem:$0x3FDB];
	_ =	sdelay $0x1  }
0x99: {  	s4 =	simm.s32 $_scs_section_size  }
0x9a: {  	s5 =	simm.s32 $_size__tile_overlayer_lowered;
	s6 =	simm.s32 $_tile_overlayer_lowered  }
0x9b: {  	s22 =	simm.s32 $0x1BFF;
	s21 =	sshll.u32 s6, $0x1;
	s3 =	sadd.s32 s4, s19  }
0x9c: {  	s7 =	simm.s32 $0x0;
	s20 =	sshll.u32 s5, $0x1;
	s5 =	sadd.s32 s21, s3  }
0x9d: {  	[timem:s7], [sflag:s22] =	dma.local [hbm:s5], s20  }
0x9e: {  	_ =	swait.ge [sflag:s22], s20  }
0x9f: {  	s4 =	ssub.s32 $0x0, s20;
	[sflag:s22] =	ssyncset.done $0x0  }
0xa0: {  	[sflag:s22] =	ssyncadd.s32 s4;
	_ =	sdelay $0x1  }
0xa1: {  	s23 =	simm.s32 $0x1B8B  }
0xa2: {  	_ =	swait.ge [sflag:s23], $0x1  }
0xa3: {  	[sflag:s23] =	ssyncset.done $0x0  }
0xa4: {  	s25 =	simm.s32 $0x1B8E;
	s24 =	sld [smem:$0x3FFE];
	[sflag:s23] =	ssyncadd.s32 $0xFFFFFFFF  }
0xa5: {  	s26 =	simm.s32 $execute0_lowered;
	[smem:$0x3FD2] =	sst s25  }
0xa6: {  	s5 =	sshll.u32 s26, $0x1;
	_ =	strace $0x80000046;
	[dreg:$0x1] =	wrdreg $0xFFFFFFFF  }
0xa7: {  	s28 =	simm.s32 $_size_execute0_lowered;
	s3 =	sadd.s32 s3, s5;
	[dreg:$0x0] =	wrdreg $0x0  }
0xa8: {  	s5 =	sshll.u32 s28, $0x1;
	[dreg:$0x2] =	wrdreg s3  }
0xa9: {  	[dreg:$0x3] =	wrdreg s5  }
0xaa: {  	[dreg:$0x4] =	wrdreg $0xC0  }
0xab: {  	_ =	task [dreg:s7], $0x5FFFF  }
0xac: {  	[dreg:$0x1] =	wrdreg $0xFFFFFFFF  }
0xad: {  	[dreg:$0x0] =	wrdreg $0x60  }
0xae: {  	[dreg:$0x2] =	wrdreg s24  }
0xaf: {  	[dreg:$0x3] =	wrdreg s2  }
0xb0: {  	[dreg:$0x4] =	wrdreg $0x134800  }
0xb1: {  	[dreg:$0x5] =	wrdreg $0x1D4800  }
0xb2: {  	[dreg:$0x6] =	wrdreg $0x9  }
0xb3: {  	_ =	task.clear_ibuf [dreg:s7], $0x7FFFF;
	_ =	strace $0x90000046  }
0xb4: {  	s29 =	simm.s32 $0x9;
	_ =	strace $0x80000048  }
0xb5: {  	_ =	swait.ge [sflag:s29], $0x1  }
0xb6: {  	[sflag:s29] =	ssyncadd.s32 $0xFFFFFFFF  }
0xb7: {  	_ =	strace $0x90000048  }
0xb8: {  	_ =	sfence  }
0xb9: {  	s30 =	sld [smem:$0x0];
	_ =	sdelay $0x2  }
0xba: {  	s31 =	sshll.u32 s1, $0xD;
	s1 =	sshrl.u32 s1, $0x2  }
0xbb: {  	s3 =	sand.u32 $0x4000, s31;
	s1 =	sadd.s32 s1, s30  }
0xbc: {  	s0 =	sor.u32 s3, s0;
	s1 =	sshll.u32 s1, $0x11  }
0xbd: {  	s0 =	sor.u32 s1, s0  }
0xbe: {  	s0 =	sadd.s32 $0x8F2B, s0  }
0xbf: {  	[sflag:s0] =	ssyncadd.remote.s32 $0x1  }
0xc0: {  	_ =	sfence.sel $0xFFFF  }
0xc1: {  	[dreg:$0x0] =	wrdreg $0xFFFFFFFF;
	(pc) =	sbr.abs _section_cstart, $3  }
0xc2: {  	[dreg:$0x1] =	wrdreg $0xFFFFFFFF  }
0xc3: {  	_ =	task.clear_ibuf [dreg:s7], $0x2FFFF;
	_ =	strace $0x9FFFFFFF  }
0xc4: {  	(tm) =	ssettm $0x7FFFFFFF  }
0xc5: {  	_ =	shalt  }
tec
execute0_lowered:
.L_overlay_start_1:
0x0: {  	(tag) =	ssettag $0x1  }
0x1: {  	s0 =	rddreg [dreg:$0x0]  }
0x2: {  	s1 =	rddreg [dreg:$0x2]  }
0x3: {  	s2 =	stileid.u32;
	s3 =	srdreg.scid  }
0x4: {  	s19 =	rddreg [dreg:$0x3];
	s4 =	simm.s32 $0x0;
	s17 =	simm.s32 $0x12000  }
0x5: {  	s18 =	simm.s32 $0x13400;
	s21 =	simm.s32 $0x80;
	s6 =	smul.u32 $0x5000, s2  }
0x6: {  	s22 =	simm.s32 $0xA000;
	s28 =	simm.s32 $0x2;
	s11 =	smul.u32 $0x28000, s2  }
0x7: {  	s30 =	simm.s32 $0x9E00;
	s31 =	simm.s32 $0x9E80;
	s14 =	smul.u32 $0x1400, s2  }
0x8: {  	s3 =	sand.u32 $0x1, s3;
	[smem:$0x7FF] =	sst s4;
	s26 =	smul.u32 $0x9C00, s2  }
0x9: {  	s12 =	sadd.s32 $0x84200, s0;
	s25 =	sshll.u32 s2, $0x6;
	s29 =	smul.u32 $0x27000, s2  }
0xa: {  	p0 =	sne.s32 s2, $0x0;
	s2 =	simm.s32 $0x28;
	s5 =	smul.u32 $0x50000, s3  }
0xb: {  	_ =	strace $0x80000047;
	s23 =	smul.u32 $0x280, s3;
	s8 =	ssub.s32 $0x2, s3  }
0xc: {  	s3 =	smul.u32 $0x9C400, s3;
	s19 =	sshrl.u32 @!p0 s19, $0x3;
	s13 =	sshrl.u32 s8, $0x1  }
0xd: {  	s24 =	sshrl.u32 s11, $0x2;
	s7 =	sadd.s32 s6, s5;
	s5 =	sadd.s32 $0x21800, s0  }
0xe: {  	s6 =	sshrl.u32 s6, $0x3;
	s15 =	ssub.s32 s8, s13;
	s16 =	sadd.s32 s24, s1  }
0xf: {  	s8 =	sor.u32 $0x1C03, s25;
	s11 =	sadd.s32 s26, s3;
	s3 =	sshrl.u32 s3, $0x3  }
0x10: {  	s13 =	sshrl.u32 s29, $0x2;
	s26 =	simm.s32 $0xE000;
	s7 =	sshrl.u32 s7, $0x3  }
0x11: {  	s9 =	sadd.s32 s6, s0;
	s6 =	sadd.s32 $0x6FC00, s0;
	s11 =	sshrl.u32 s11, $0x3  }
0x12: {  	s3 =	sadd.s32 s12, s3;
	s24 =	sadd.s32 s13, s1;
	s10 =	sadd.s32 s7, s0  }
0x13: {  	s0 =	sadd.s32 s23, s0;
	s7 =	sadd.s32 s6, s14;
	s9 =	sadd.s32 $0x3800, s9  }
0x14: {  	s11 =	sadd.s32 s12, s11;
	s12 =	sadd.s32 $0x13800, s3;
	s3 =	sadd.s32 $0x9C000, s1  }
0x15: {  	s14 =	smax.u32 s15, $0x1;
	s15 =	sshrl.u32 s16, $0x3;
	s16 =	simm.s32 $0x3  }
0x16: {  	s23 =	simm.s32 $0x1;
	s24 =	sshrl.u32 s24, $0x3;
	s10 =	sadd.s32 $0xD800, s10  }
0x17: {  	v0 =	vimm.f32 $1.000000000e+00;
	s13 =	sadd.s32 $0x83C00, s0;
	s25 =	sshrl.u32 @!p0 s3, $0x3;
	s0 =	simm.s32 $0x0  }
.LBB2_1:
0x18: {  	[spmem:s15], [sflag:s8] =	dma.local [hbm:s7], $0x1400  }
0x19: {  	_ =	swait.ge [sflag:s16], $0x1400  }
0x1a: {  	[sflag:s16] =	ssyncset.done $0x0  }
0x1b: {  	[sflag:s16] =	ssyncadd.s32 $0xFFFFEC00  }
0x1c: {  	[tilespmem:s17], [sflag:$0x3] =	stream.linear.gather [hbm4b:s6+s4], $0x1400, $0x38;
	[tilespmem:$0x1D5C0] =	vst v63  }
0x1d: {  	_ =	swait.ge [sflag:s16], $0x1400  }
0x1e: {  	[sflag:s16] =	ssyncset.done $0x0  }
0x1f: {  	[sflag:s16] =	ssyncadd.s32 $0xFFFFEC00  }
0x20: {  	s3 =	rddreg [dreg:$0x1]  }
0x21: {  	[tilespmem:s18], [sflag:$0x3] =	stream.linear.gather [hbm4b:s3+s4], $0x80, $0x38;
	[tilespmem:$0x1D5C0] =	vst v63  }
0x22: {  	_ =	swait.ge [sflag:s16], $0x80  }
0x23: {  	[sflag:s16] =	ssyncset.done $0x0  }
0x24: {  	s3 =	simm.s32 @!p0 $0x3;
	[sflag:s16] =	ssyncadd.s32 $0xFFFFFF80  }
0x25: {  	[spmem:s19], [sflag:s8] =	dma.local @!p0 [hbm:s6], $0x280  }
0x26: {  	_ =	swait.ge @!p0 [sflag:s3], $0x280  }
0x27: {  	[sflag:s3] =	ssyncset.done @!p0 $0x0  }
0x28: {  	[sflag:s3] =	ssyncadd.s32 @!p0 $0xFFFFFD80  }
0x29: {  	[tilespmem:s4], [sflag:$0x3] =	stream.linear.gather [hbm4b:s9+s4], $0x4F00, $0x38;
	[tilespmem:$0x1D5C0] =	vst v63  }
0x2a: {  	_ =	swait.ge [sflag:s16], $0x4F00  }
0x2b: {  	[sflag:s16] =	ssyncset.done $0x0  }
0x2c: {  	s29 =	simm.s32 $0x5000;
	[sflag:s16] =	ssyncadd.s32 $0xFFFFB100  }
0x2d: {  	[tilespmem:s29], [sflag:$0x3] =	stream.linear.gather [hbm4b:s10+s4], $0x4F00, $0x38;
	[tilespmem:$0x1D5C0] =	vst v63  }
0x2e: {  	_ =	swait.ge [sflag:s16], $0x4F00  }
0x2f: {  	[sflag:s16] =	ssyncset.done $0x0  }
0x30: {  	[sflag:s16] =	ssyncadd.s32 $0xFFFFB100  }
0x31: {  	s3 =	simm.s32 $0x0;
	[bflag:$0x0] =	sbarrier.arrive $0xFFFF  }
0x32: {  	[tilespmem:s22], [sflag:$0x1] =	stream.indirect.gather [hbm4b:s5+s21], $0x80, s4, s21, $0xb8;
	[tilespmem:$0x1D5C0] =	vst v63  }
.LBB2_2:
0x33: {  	_ =	swait.ge [sflag:s23], $0x4000  }
0x34: {  	s20 =	sshra.s32 s3, $0x2;
	[sflag:s23] =	ssyncset.done $0x0  }
0x35: {  	s29 =	sadd.s32 $0x80, s20;
	[sflag:s23] =	ssyncadd.s32 $0xFFFFC000  }
0x36: {  	[tilespmem:s26], [sflag:$0x2] =	stream.indirect.gather [hbm4b:s5+s21], $0x80, s29, s21, $0xb8;
	[tilespmem:$0x1D5C0] =	vst v63  }
0x37: {  	v1 =	vld [tilespmem:s20+$0x5000];
	_ =	sdelay $0x7  }
0x38: {  	[tilespmem:v1+s17+$0x0] =	vst.idx.add.f32.msk $0xffff, v0  }
0x39: {  	v1 =	vld [tilespmem:s20+$0x5010];
	_ =	sdelay $0x7  }
0x3a: {  	[tilespmem:v1+s17+$0x0] =	vst.idx.add.f32.msk $0xffff, v0  }
0x3b: {  	v1 =	vld [tilespmem:s20+$0x5020];
	_ =	sdelay $0x7  }
0x3c: {  	[tilespmem:v1+s17+$0x0] =	vst.idx.add.f32.msk $0xffff, v0  }
0x3d: {  	v1 =	vld [tilespmem:s20+$0x5030];
	_ =	sdelay $0x7  }
0x3e: {  	[tilespmem:v1+s17+$0x0] =	vst.idx.add.f32.msk $0xffff, v0  }
0x3f: {  	v1 =	vld [tilespmem:s20+$0x5040];
	_ =	sdelay $0x7  }
0x40: {  	[tilespmem:v1+s17+$0x0] =	vst.idx.add.f32.msk $0xffff, v0  }
0x41: {  	v1 =	vld [tilespmem:s20+$0x5050];
	_ =	sdelay $0x7  }
0x42: {  	[tilespmem:v1+s17+$0x0] =	vst.idx.add.f32.msk $0xffff, v0  }
0x43: {  	v1 =	vld [tilespmem:s20+$0x5060];
	_ =	sdelay $0x7  }
0x44: {  	[tilespmem:v1+s17+$0x0] =	vst.idx.add.f32.msk $0xffff, v0  }
0x45: {  	v1 =	vld [tilespmem:s20+$0x5070];
	_ =	sdelay $0x7  }
0x46: {  	s29 =	sadd.s32 $0x5000, s20;
	[tilespmem:v1+s17+$0x0] =	vst.idx.add.f32.msk $0xffff, v0  }
0x47: {  	[spmem:s1] =	stream.indirect.scatter.add.f32 [tilespmem:s22], [sflag:$0x3], $0x80, s29, s21, $0xb8;
	[tilespmem:$0x1D5C0] =	vst v63  }
0x48: {  	_ =	swait.ge [sflag:s16], $0x4000  }
0x49: {  	[sflag:s16] =	ssyncset.done $0x0  }
0x4a: {  	[sflag:s16] =	ssyncadd.s32 $0xFFFFC000  }
0x4b: {  	_ =	swait.ge [sflag:s28], $0x4000  }
0x4c: {  	[sflag:s28] =	ssyncset.done $0x0  }
0x4d: {  	s29 =	sadd.s32 $0x100, s20;
	[sflag:s28] =	ssyncadd.s32 $0xFFFFC000  }
0x4e: {  	[tilespmem:s22], [sflag:$0x1] =	stream.indirect.gather [hbm4b:s5+s21], $0x80, s29, s21, $0xb8;
	[tilespmem:$0x1D5C0] =	vst v63  }
0x4f: {  	v1 =	vld [tilespmem:s20+$0x5080];
	_ =	sdelay $0x7  }
0x50: {  	[tilespmem:v1+s17+$0x0] =	vst.idx.add.f32.msk $0xffff, v0  }
0x51: {  	v1 =	vld [tilespmem:s20+$0x5090];
	_ =	sdelay $0x7  }
0x52: {  	[tilespmem:v1+s17+$0x0] =	vst.idx.add.f32.msk $0xffff, v0  }
0x53: {  	v1 =	vld [tilespmem:s20+$0x50A0];
	_ =	sdelay $0x7  }
0x54: {  	[tilespmem:v1+s17+$0x0] =	vst.idx.add.f32.msk $0xffff, v0  }
0x55: {  	v1 =	vld [tilespmem:s20+$0x50B0];
	_ =	sdelay $0x7  }
0x56: {  	[tilespmem:v1+s17+$0x0] =	vst.idx.add.f32.msk $0xffff, v0  }
0x57: {  	v1 =	vld [tilespmem:s20+$0x50C0];
	_ =	sdelay $0x7  }
0x58: {  	[tilespmem:v1+s17+$0x0] =	vst.idx.add.f32.msk $0xffff, v0  }
0x59: {  	v1 =	vld [tilespmem:s20+$0x50D0];
	_ =	sdelay $0x7  }
0x5a: {  	[tilespmem:v1+s17+$0x0] =	vst.idx.add.f32.msk $0xffff, v0  }
0x5b: {  	v1 =	vld [tilespmem:s20+$0x50E0];
	_ =	sdelay $0x7  }
0x5c: {  	[tilespmem:v1+s17+$0x0] =	vst.idx.add.f32.msk $0xffff, v0  }
0x5d: {  	v1 =	vld [tilespmem:s20+$0x50F0];
	_ =	sdelay $0x6  }
0x5e: {  	p1 =	sne.s32 s3, $0x13400  }
.Ltmp0:
0x5f: {  	s20 =	sadd.s32 $0x5080, s20;
	[tilespmem:v1+s17+$0x0] =	vst.idx.add.f32.msk $0xffff, v0;
	(pc) =	sbr.rel @p1 .LBB2_2-.Ltmp0, $4  }
0x60: {  	[spmem:s1] =	stream.indirect.scatter.add.f32 [tilespmem:s26], [sflag:$0x3], $0x80, s20, s21, $0xb8;
	[tilespmem:$0x1D5C0] =	vst v63  }
0x61: {  	_ =	swait.ge [sflag:s16], $0x4000  }
0x62: {  	[sflag:s16] =	ssyncset.done $0x0  }
0x63: {  	s3 =	sadd.s32 $0x400, s3;
	[sflag:s16] =	ssyncadd.s32 $0xFFFFC000  }
0x64: {  	_ =	swait.ge [sflag:s23], $0x4000  }
0x65: {  	[sflag:s23] =	ssyncset.done $0x0  }
0x66: {  	s3 =	simm.s32 $0x4E80;
	[sflag:s23] =	ssyncadd.s32 $0xFFFFC000  }
0x67: {  	[tilespmem:s26], [sflag:$0x2] =	stream.indirect.gather [hbm4b:s5+s21], $0x80, s3, s21, $0xb8;
	[tilespmem:$0x1D5C0] =	vst v63  }
0x68: {  	v1 =	vld [tilespmem:$0x9E00];
	_ =	sdelay $0x7  }
0x69: {  	[tilespmem:v1+s17+$0x0] =	vst.idx.add.f32.msk $0xffff, v0  }
0x6a: {  	v1 =	vld [tilespmem:$0x9E10];
	_ =	sdelay $0x7  }
0x6b: {  	[tilespmem:v1+s17+$0x0] =	vst.idx.add.f32.msk $0xffff, v0  }
0x6c: {  	v1 =	vld [tilespmem:$0x9E20];
	_ =	sdelay $0x7  }
0x6d: {  	[tilespmem:v1+s17+$0x0] =	vst.idx.add.f32.msk $0xffff, v0  }
0x6e: {  	v1 =	vld [tilespmem:$0x9E30];
	_ =	sdelay $0x7  }
0x6f: {  	[tilespmem:v1+s17+$0x0] =	vst.idx.add.f32.msk $0xffff, v0  }
0x70: {  	v1 =	vld [tilespmem:$0x9E40];
	_ =	sdelay $0x7  }
0x71: {  	[tilespmem:v1+s17+$0x0] =	vst.idx.add.f32.msk $0xffff, v0  }
0x72: {  	v1 =	vld [tilespmem:$0x9E50];
	_ =	sdelay $0x7  }
0x73: {  	[tilespmem:v1+s17+$0x0] =	vst.idx.add.f32.msk $0xffff, v0  }
0x74: {  	v1 =	vld [tilespmem:$0x9E60];
	_ =	sdelay $0x7  }
0x75: {  	[tilespmem:v1+s17+$0x0] =	vst.idx.add.f32.msk $0xffff, v0  }
0x76: {  	v1 =	vld [tilespmem:$0x9E70];
	_ =	sdelay $0x7  }
0x77: {  	[tilespmem:v1+s17+$0x0] =	vst.idx.add.f32.msk $0xffff, v0  }
0x78: {  	[spmem:s1] =	stream.indirect.scatter.add.f32 [tilespmem:s22], [sflag:$0x3], $0x80, s30, s21, $0xb8;
	[tilespmem:$0x1D5C0] =	vst v63  }
0x79: {  	_ =	swait.ge [sflag:s16], $0x4000  }
0x7a: {  	[sflag:s16] =	ssyncset.done $0x0  }
0x7b: {  	[sflag:s16] =	ssyncadd.s32 $0xFFFFC000  }
0x7c: {  	_ =	swait.ge [sflag:s28], $0x4000  }
0x7d: {  	[sflag:s28] =	ssyncset.done $0x0  }
0x7e: {  	[sflag:s28] =	ssyncadd.s32 $0xFFFFC000  }
0x7f: {  	v1 =	vld [tilespmem:$0x9E80];
	_ =	sdelay $0x7  }
0x80: {  	[tilespmem:v1+s17+$0x0] =	vst.idx.add.f32.msk $0xffff, v0  }
0x81: {  	v1 =	vld [tilespmem:$0x9E90];
	_ =	sdelay $0x7  }
0x82: {  	[tilespmem:v1+s17+$0x0] =	vst.idx.add.f32.msk $0xffff, v0  }
0x83: {  	v1 =	vld [tilespmem:$0x9EA0];
	_ =	sdelay $0x7  }
0x84: {  	[tilespmem:v1+s17+$0x0] =	vst.idx.add.f32.msk $0xffff, v0  }
0x85: {  	v1 =	vld [tilespmem:$0x9EB0];
	_ =	sdelay $0x7  }
0x86: {  	[tilespmem:v1+s17+$0x0] =	vst.idx.add.f32.msk $0xffff, v0  }
0x87: {  	v1 =	vld [tilespmem:$0x9EC0];
	_ =	sdelay $0x7  }
0x88: {  	[tilespmem:v1+s17+$0x0] =	vst.idx.add.f32.msk $0xffff, v0  }
0x89: {  	v1 =	vld [tilespmem:$0x9ED0];
	_ =	sdelay $0x7  }
0x8a: {  	[tilespmem:v1+s17+$0x0] =	vst.idx.add.f32.msk $0xffff, v0  }
0x8b: {  	v1 =	vld [tilespmem:$0x9EE0];
	_ =	sdelay $0x7  }
0x8c: {  	[tilespmem:v1+s17+$0x0] =	vst.idx.add.f32.msk $0xffff, v0  }
0x8d: {  	v1 =	vld [tilespmem:$0x9EF0];
	_ =	sdelay $0x7  }
0x8e: {  	[tilespmem:v1+s17+$0x0] =	vst.idx.add.f32.msk $0xffff, v0  }
0x8f: {  	[spmem:s1] =	stream.indirect.scatter.add.f32 [tilespmem:s26], [sflag:$0x3], $0x80, s31, s21, $0xb8;
	[tilespmem:$0x1D5C0] =	vst v63  }
0x90: {  	_ =	swait.ge [sflag:s16], $0x4000  }
0x91: {  	[sflag:s16] =	ssyncset.done $0x0  }
0x92: {  	[sflag:s16] =	ssyncadd.s32 $0xFFFFC000  }
0x93: {  	[bflag:$0x0] =	sbarrier.arrive $0xFFFF  }
0x94: {  	s29 =	rddreg [dreg:$0x3]  }
0x95: {  	[spmem:s29] =	stream.indirect.scatter.add.f32 [tilespmem:s17], [sflag:$0x3], $0x80, s18, s2, $0xb8;
	[tilespmem:$0x1D5C0] =	vst v63  }
0x96: {  	_ =	swait.ge [sflag:s16], $0x1400  }
0x97: {  	[sflag:s16] =	ssyncset.done $0x0  }
0x98: {  	[sflag:s16] =	ssyncadd.s32 $0xFFFFEC00  }
0x99: {  	[bflag:$0x0] =	sbarrier.arrive $0xFFFF  }
0x9a: {  	[hbm:s11], [sflag:s8] =	dma.local [spmem:s24], $0x1380  }
0x9b: {  	_ =	swait.ge [sflag:s16], $0x1380  }
0x9c: {  	[sflag:s16] =	ssyncset.done $0x0  }
0x9d: {  	s3 =	simm.s32 @!p0 $0x3;
	[sflag:s16] =	ssyncadd.s32 $0xFFFFEC80  }
0x9e: {  	[hbm:s12], [sflag:s8] =	dma.local @!p0 [spmem:s25], $0x80  }
0x9f: {  	s0 =	sadd.s32 $0x1, s0;
	_ =	swait.ge @!p0 [sflag:s3], $0x80  }
0xa0: {  	p1 =	sne.s32 s0, s14;
	[sflag:s3] =	ssyncset.done @!p0 $0x0  }
.Ltmp1:
0xa1: {  	[sflag:s3] =	ssyncadd.s32 @!p0 $0xFFFFFF80;
	(pc) =	sbr.rel @p1 .LBB2_1-.Ltmp1, $4  }
0xa2: {  	[hbm:s13], [sflag:s8] =	dma.local @!p0 [spmem:s19], $0x280  }
0xa3: {  	_ =	swait.ge @!p0 [sflag:s3], $0x280  }
0xa4: {  	[sflag:s3] =	ssyncset.done @!p0 $0x0  }
0xa5: {  	[sflag:s3] =	ssyncadd.s32 @!p0 $0xFFFFFD80  }
0xa6: {  	_ =	sfence.sel $0x180000  }
0xa7: {  	[bflag:$0x0] =	sbarrier.arrive $0xFFFF  }
0xa8: {  	_ =	strace $0x90000047  }
0xa9: {  	[bflag:$0x2] =	sbarrier.arrive $0xFFFF  }
0xaa: {  	s0 =	rddreg [dreg:$0x4]  }
0xab: {  	s0 =	sadd.s32 @!p0 $0x100000, s0  }
0xac: {  	[sflag:s0] =	ssyncadd.tile.s32 @!p0 $0x1;
	_ =	shalt  }
.Lfunc_end2:
_tile_overlayer_lowered:
.L_overlay_start_2:
0xad: {  	(tag) =	ssettag $0x2  }
0xae: {  	s0 =	rddreg [dreg:$0x0];
	s2 =	stileid.u32  }
0xaf: {  	s1 =	rddreg [dreg:$0x1];
	p0 =	sne.s32 s2, $0x0  }
0xb0: {  	s3 =	rddreg [dreg:$0x2];
	[bflag:$0x3] =	sbarrier.arrive $0xFFFF;
	s2 =	simm.s32 @!p0 $0x1C03  }
0xb1: {  	[timem:s3], [sflag:s2] =	dma.local @!p0 [hbm:s0], s1  }
0xb2: {  	s0 =	simm.s32 @!p0 $0x3  }
0xb3: {  	_ =	swait.ge @!p0 [sflag:s0], s1  }
0xb4: {  	s1 =	ssub.s32 @!p0 $0x0, s1;
	[sflag:s0] =	ssyncset.done @!p0 $0x0  }
0xb5: {  	[sflag:s0] =	ssyncadd.s32 @!p0 s1  }
0xb6: {  	[bflag:$0x3] =	sbarrier.arrive $0xFFFF  }
0xb7: {  	_ =	shalt  }

</sc_bundles>
